<compile_context>
chip_gen: v7x
topology: tpu7x:2x2x1
jax: 0.10.2.dev20260603
libtpu: 0.0.44.dev20260713+nightly
codegen_flags: <defaults>
</compile_context>

<pallas_src>
import functools

import jax
import jax.numpy as jnp
from jax import lax
from jax.experimental import pallas as pl
from jax.experimental.pallas import tpu as pltpu
from jax.experimental.pallas import tpu_sc as plsc

NC = 2
NS = 16
NW = NC * NS
E = 320000
D = 128
NPAD = 10240
RPS = NPAD // NS
PAD_DST = 10100

KG = 128
CHUNKS = 80
EPW = CHUNKS * KG
EPAD = NW * EPW

KC = 128
CCHUNKS = EPW // KC

_mesh = plsc.VectorSubcoreMesh(core_axis_name="c", subcore_axis_name="s")


def _segsum_body(x, srcf, dst2d, zfeat, out_sum,
                 sidx, didx, rows0, acc, sem0):
  c = lax.axis_index("c")
  s = lax.axis_index("s")
  wid = s * NC + c

  pltpu.sync_copy(srcf.at[pl.ds(wid * EPW, EPW)], sidx)
  pltpu.sync_copy(dst2d.at[pl.ds(wid * CHUNKS, CHUNKS)], didx)
  pltpu.sync_copy(zfeat, acc.at[pl.ds(s * RPS, RPS)])
  plsc.subcore_barrier()

  def step(i, carry):
    idx = sidx.at[pl.ds(pl.multiple_of(i * KG, 8), KG)]
    pltpu.async_copy(x.at[idx], rows0, sem0).wait()
    pltpu.sync_copy(rows0, acc.at[didx.at[i]], add=True)
    return carry

  lax.fori_loop(0, CHUNKS, step, 0)

  plsc.subcore_barrier()
  pltpu.sync_copy(acc.at[pl.ds(s * RPS, RPS)],
                  out_sum.at[c, pl.ds(s * RPS, RPS)])


def _count_body(dst2d, zfeat, ones, out_cnt, didx, onesv, acc, sem):
  c = lax.axis_index("c")
  s = lax.axis_index("s")
  wid = s * NC + c

  pltpu.sync_copy(dst2d.at[pl.ds(wid * CCHUNKS, CCHUNKS)], didx)
  pltpu.sync_copy(zfeat, acc.at[pl.ds(s * RPS, RPS)])
  pltpu.sync_copy(ones, onesv)
  plsc.subcore_barrier()

  def step(i, carry):
    pltpu.sync_copy(onesv, acc.at[didx.at[i]], add=True)
    return carry

  lax.fori_loop(0, CCHUNKS, step, 0)
  plsc.subcore_barrier()

  pltpu.sync_copy(acc.at[pl.ds(s * RPS, RPS)],
                  out_cnt.at[c, pl.ds(s * RPS, RPS)])


_segsum_call = functools.partial(
    pl.kernel, mesh=_mesh,
    out_type=[jax.ShapeDtypeStruct((NC, NPAD, D), jnp.float32)],
    scratch_types=[
        pltpu.VMEM((EPW,), jnp.int32),
        pltpu.VMEM((CHUNKS, KG), jnp.int32),
        pltpu.VMEM((KG, D), jnp.float32),
        pltpu.VMEM_SHARED((NPAD, D), jnp.float32),
        pltpu.SemaphoreType.DMA,
    ])(_segsum_body)

_count_call = functools.partial(
    pl.kernel, mesh=_mesh,
    out_type=[jax.ShapeDtypeStruct((NC, NPAD, D), jnp.float32)],
    scratch_types=[
        pltpu.VMEM((CCHUNKS, KC), jnp.int32),
        pltpu.VMEM((KC, D), jnp.float32),
        pltpu.VMEM_SHARED((NPAD, D), jnp.float32),
        pltpu.SemaphoreType.DMA,
    ])(_count_body)


def _pad_idx(idx, fill):
  if fill == 0:
    pad = jnp.zeros((EPAD - E,), jnp.int32)
  else:
    pad = 10000 + (jnp.arange(EPAD - E, dtype=jnp.int32) % (NPAD - 10008))
  return jnp.concatenate([idx, pad])


def _segsum(x, srcf, dst2d):
  zfeat = jnp.zeros((RPS, D), jnp.float32)
  (s,) = _segsum_call(x, srcf, dst2d, zfeat)
  return s


def _count(dst2d):
  zfeat = jnp.zeros((RPS, D), jnp.float32)
  ones = jnp.ones((KC, D), jnp.float32)
  (cnt,) = _count_call(dst2d, zfeat, ones)
  return cnt


R = 1000


def _make_dense(proj):
  def body(*refs):
    if proj:
      (sums, cnts, xd, wl, bl, wr, wp, bp, h_out, p_out) = refs
    else:
      (sums, cnts, xd, wl, bl, wr, h_out) = refs
    ssum = sums[0] + sums[1]
    cnt = cnts[0][:, 0:1] + cnts[1][:, 0:1]
    mean = ssum / jnp.maximum(cnt, 1.0)
    h = lax.dot_general(mean, wl[...], (((1,), (1,)), ((), ())),
                        preferred_element_type=jnp.float32)
    h = h + bl[...]
    h = h + lax.dot_general(xd[...], wr[...], (((1,), (1,)), ((), ())),
                            preferred_element_type=jnp.float32)
    h = jnp.maximum(h, 0.0)
    h_out[...] = h
    if proj:
      p = lax.dot_general(h, wp[...], (((1,), (1,)), ((), ())),
                          preferred_element_type=jnp.float32)
      p_out[...] = p + bp[...]

  n_dst = 10000
  grid = n_dst // R
  in_specs = [
      pl.BlockSpec((NC, R, D), lambda i: (0, i, 0)),
      pl.BlockSpec((NC, R, D), lambda i: (0, i, 0)),
      pl.BlockSpec((R, D), lambda i: (i, 0)),
      pl.BlockSpec((D, D), lambda i: (0, 0)),
      pl.BlockSpec((1, D), lambda i: (0, 0)),
      pl.BlockSpec((D, D), lambda i: (0, 0)),
  ]
  out_shape = [jax.ShapeDtypeStruct((n_dst, D), jnp.float32)]
  out_specs = [pl.BlockSpec((R, D), lambda i: (i, 0))]
  if proj:
    in_specs += [
        pl.BlockSpec((64, D), lambda i: (0, 0)),
        pl.BlockSpec((1, 64), lambda i: (0, 0)),
    ]
    out_shape.append(jax.ShapeDtypeStruct((n_dst, 64), jnp.float32))
    out_specs.append(pl.BlockSpec((R, 64), lambda i: (i, 0)))

  return pl.pallas_call(
      body, grid=(grid,), in_specs=in_specs, out_specs=out_specs,
      out_shape=out_shape)


_dense_plain = _make_dense(False)
_dense_proj = _make_dense(True)


def _dense(sums, cnts, x_dst, wl, bl, wr, wp=None, bp=None):
  bl = bl.reshape(1, D)
  if wp is None:
    (h,) = _dense_plain(sums, cnts, x_dst, wl, bl, wr)
    return h
  bp = bp.reshape(1, 64)
  h, p = _dense_proj(sums, cnts, x_dst, wl, bl, wr, wp, bp)
  return h, p


def kernel(x_user, x_movie, edge_index_rates, edge_index_rev,
           W1l, b1l, W1r, W2l, b2l, W2r, W3l, b3l, W3r,
           Wlin1, blin1, Wlin2, blin2):
  src_rev = _pad_idx(edge_index_rev[0], 0)
  dst_rev = _pad_idx(edge_index_rev[1], PAD_DST)
  src_rat = _pad_idx(edge_index_rates[0], 0)
  dst_rat = _pad_idx(edge_index_rates[1], PAD_DST)
  dst_rev_g = dst_rev.reshape(NW * CHUNKS, KG)
  dst_rat_g = dst_rat.reshape(NW * CHUNKS, KG)

  cnt_u = _count(dst_rev.reshape(NW * CCHUNKS, KC))
  cnt_m = _count(dst_rat.reshape(NW * CCHUNKS, KC))

  sum1 = _segsum(x_movie, src_rev, dst_rev_g)
  sum2 = _segsum(x_user, src_rat, dst_rat_g)

  user_x = _dense(sum1, cnt_u, x_user, W1l, b1l, W1r)
  movie_x, out_movie = _dense(sum2, cnt_m, x_movie, W2l, b2l, W2r,
                              Wlin2, blin2)

  sum3 = _segsum(movie_x, src_rev, dst_rev_g)
  _, out_user = _dense(sum3, cnt_u, user_x, W3l, b3l, W3r, Wlin1, blin1)

  return (out_user, out_movie)

# --- scband reference (transcript-rebuilt; emitter-appended) ---
"""Pipeline reference for scband-encoder-12618613916304 (READ-ONLY COPY).

The authoritative reference and input builder live on the scoring server;
editing this copy changes nothing except your own understanding.
"""

import jax, jax.numpy as jnp
import numpy as np

N_USER = 10000
N_MOVIE = 10000
E = 320000
D = 128
H = 128
OUT = 64


def _lin_init(key, out_dim, in_dim):
    scale = 1.0 / np.sqrt(in_dim)
    return jax.random.uniform(key, (out_dim, in_dim), minval=-scale, maxval=scale, dtype=jnp.float32)


def setup_inputs(seed: int = 0) -> dict:
    key = jax.random.key(seed)
    ks = jax.random.split(key, 24)
    inp = {}
    inp['x_user'] = jax.random.normal(ks[0], (N_USER, D), dtype=jnp.float32)
    inp['x_movie'] = jax.random.normal(ks[1], (N_MOVIE, D), dtype=jnp.float32)
    # edge_index[0] = src node indices, edge_index[1] = dst node indices
    inp['edge_index_rates'] = jnp.stack([
        jax.random.randint(ks[2], (E,), 0, N_USER),
        jax.random.randint(ks[3], (E,), 0, N_MOVIE),
    ], axis=0)
    inp['edge_index_rev'] = jnp.stack([
        jax.random.randint(ks[4], (E,), 0, N_MOVIE),
        jax.random.randint(ks[5], (E,), 0, N_USER),
    ], axis=0)
    # SAGEConv params: lin_l (applied to mean-aggregated src msgs, with bias), lin_r (applied to dst feats, no bias)
    inp['W1l'] = _lin_init(ks[6], H, D); inp['b1l'] = jnp.zeros((H,), jnp.float32); inp['W1r'] = _lin_init(ks[7], H, D)
    inp['W2l'] = _lin_init(ks[8], H, D); inp['b2l'] = jnp.zeros((H,), jnp.float32); inp['W2r'] = _lin_init(ks[9], H, D)
    inp['W3l'] = _lin_init(ks[10], H, H); inp['b3l'] = jnp.zeros((H,), jnp.float32); inp['W3r'] = _lin_init(ks[11], H, H)
    inp['Wlin1'] = _lin_init(ks[12], OUT, H); inp['blin1'] = jnp.zeros((OUT,), jnp.float32)
    inp['Wlin2'] = _lin_init(ks[13], OUT, H); inp['blin2'] = jnp.zeros((OUT,), jnp.float32)
    return inp


def _sage_conv(x_src, x_dst, edge_index, Wl, bl, Wr, n_dst):
    src = edge_index[0]
    dst = edge_index[1]
    msgs = jnp.take(x_src, src, axis=0)
    summed = jax.ops.segment_sum(msgs, dst, num_segments=n_dst)
    cnt = jax.ops.segment_sum(jnp.ones((msgs.shape[0], 1), msgs.dtype), dst, num_segments=n_dst)
    mean = summed / jnp.clip(cnt, 1.0)
    return mean @ Wl.T + bl + x_dst @ Wr.T


def reference(x_user, x_movie, edge_index_rates, edge_index_rev,
              W1l, b1l, W1r, W2l, b2l, W2r, W3l, b3l, W3r,
              Wlin1, blin1, Wlin2, blin2):
    # conv1: (movie -> user) along rev_rates edges
    user_x = jax.nn.relu(_sage_conv(x_movie, x_user, edge_index_rev, W1l, b1l, W1r, N_USER))
    # conv2: (user -> movie) along rates edges
    movie_x = jax.nn.relu(_sage_conv(x_user, x_movie, edge_index_rates, W2l, b2l, W2r, N_MOVIE))
    # conv3: (movie_x -> user_x) along rev_rates edges
    user_x = jax.nn.relu(_sage_conv(movie_x, user_x, edge_index_rev, W3l, b3l, W3r, N_USER))
    out_user = user_x @ Wlin1.T + blin1
    out_movie = movie_x @ Wlin2.T + blin2
    return (out_user, out_movie)

if __name__ == "__main__":
    import jax
    _d = setup_inputs()
    print(jax.jit(kernel)(*tuple(_d.values())))

</pallas_src>

<mosaic_0001>
#map = affine_map<(d0, d1) -> (0, 0)>
#map1 = affine_map<(d0, d1) -> (0)>
#map2 = affine_map<(d0, d1) -> (0, 0, 0)>
module attributes {stable_mosaic.version = 14 : i64} {
  func.func @_segsum_body(%arg0: i32, %arg1: i32, %arg2: memref<10000x128xf32, #tpu.memory_space<hbm>>, %arg3: memref<327680xi32, #tpu.memory_space<hbm>>, %arg4: memref<2560x128xi32, #tpu.memory_space<hbm>>, %arg5: memref<640x128xf32, #tpu.memory_space<hbm>>, %arg6: memref<2x10240x128xf32, #tpu.memory_space<hbm>>, %arg7: memref<10240xi32, #tpu.memory_space<vmem>>, %arg8: memref<80x128xi32, #tpu.memory_space<vmem>>, %arg9: memref<128x128xf32, #tpu.memory_space<vmem>>, %arg10: memref<10240x128xf32, #tpu.memory_space<vmem_shared>>, %arg11: memref<!tpu.dma_semaphore, #tpu.memory_space<semaphore_mem>>) attributes {dimension_semantics = [#tpu.dimension_semantics<core_parallel>, #tpu.dimension_semantics<subcore_parallel>], iteration_bounds = array<i64: 2, 16>, scalar_prefetch = 0 : i64, scratch_operands = 5 : i64, tpu.core_type = #tpu.core_type<sc_vector_subcore>, window_params = [{transform_indices = #map}, {transform_indices = #map1}, {transform_indices = #map}, {transform_indices = #map}, {transform_indices = #map2}]} {
    %mul3A = arith.constant 2 : i32
    %mul3A_0 = arith.muli %arg1, %mul3A : i32
    %add3A = arith.addi %mul3A_0, %arg0 : i32
    %mul3A_1 = arith.constant 10240 : i32
    %mul3A_2 = arith.muli %add3A, %mul3A_1 : i32
    "tpu.region"() ({
      %run_scoped3A = tpu.sem_alloc : memref<!tpu.dma_semaphore, #tpu.memory_space<semaphore_mem>>
      %dma_start3A = tpu.memref_slice %arg3[%mul3A_2] : memref<327680xi32, #tpu.memory_space<hbm>> -> memref<10240xi32, #tpu.memory_space<hbm>>
      %dma_start3A_17 = tpu.memref_slice %arg3[%mul3A_2] : memref<327680xi32, #tpu.memory_space<hbm>> -> memref<10240xi32, #tpu.memory_space<hbm>>
      tpu.enqueue_dma source(%dma_start3A_17 : memref<10240xi32, #tpu.memory_space<hbm>>) target(%arg7 : memref<10240xi32, #tpu.memory_space<vmem>>) target_semaphore(%run_scoped3A : memref<!tpu.dma_semaphore, #tpu.memory_space<semaphore_mem>>)
      %dma_wait3A = tpu.memref_slice %arg3[%mul3A_2] : memref<327680xi32, #tpu.memory_space<hbm>> -> memref<10240xi32, #tpu.memory_space<hbm>>
      %dma_wait3A_18 = tpu.memref_slice %arg3[%mul3A_2] : memref<327680xi32, #tpu.memory_space<hbm>> -> memref<10240xi32, #tpu.memory_space<hbm>>
      tpu.wait_dma2 semaphore(%run_scoped3A : memref<!tpu.dma_semaphore, #tpu.memory_space<semaphore_mem>>) src(%dma_wait3A_18 : memref<10240xi32, #tpu.memory_space<hbm>>) dst(%arg7 : memref<10240xi32, #tpu.memory_space<vmem>>)
      tpu.yield
    }) : () -> ()
    %mul3A_3 = arith.constant 80 : i32
    %mul3A_4 = arith.muli %add3A, %mul3A_3 : i32
    "tpu.region"() ({
      %run_scoped3A = tpu.sem_alloc : memref<!tpu.dma_semaphore, #tpu.memory_space<semaphore_mem>>
      %dma_start3A = arith.constant 0 : i32
      %dma_start3A_17 = tpu.memref_slice %arg4[%mul3A_4, %dma_start3A] : memref<2560x128xi32, #tpu.memory_space<hbm>> -> memref<80x128xi32, #tpu.memory_space<hbm>>
      %dma_start3A_18 = arith.constant 0 : i32
      %dma_start3A_19 = tpu.memref_slice %arg4[%mul3A_4, %dma_start3A_18] : memref<2560x128xi32, #tpu.memory_space<hbm>> -> memref<80x128xi32, #tpu.memory_space<hbm>>
      tpu.enqueue_dma source(%dma_start3A_19 : memref<80x128xi32, #tpu.memory_space<hbm>>) target(%arg8 : memref<80x128xi32, #tpu.memory_space<vmem>>) target_semaphore(%run_scoped3A : memref<!tpu.dma_semaphore, #tpu.memory_space<semaphore_mem>>)
      %dma_wait3A = arith.constant 0 : i32
      %dma_wait3A_20 = tpu.memref_slice %arg4[%mul3A_4, %dma_wait3A] : memref<2560x128xi32, #tpu.memory_space<hbm>> -> memref<80x128xi32, #tpu.memory_space<hbm>>
      %dma_wait3A_21 = arith.constant 0 : i32
      %dma_wait3A_22 = tpu.memref_slice %arg4[%mul3A_4, %dma_wait3A_21] : memref<2560x128xi32, #tpu.memory_space<hbm>> -> memref<80x128xi32, #tpu.memory_space<hbm>>
      tpu.wait_dma2 semaphore(%run_scoped3A : memref<!tpu.dma_semaphore, #tpu.memory_space<semaphore_mem>>) src(%dma_wait3A_22 : memref<80x128xi32, #tpu.memory_space<hbm>>) dst(%arg8 : memref<80x128xi32, #tpu.memory_space<vmem>>)
      tpu.yield
    }) : () -> ()
    %mul3A_5 = arith.constant 640 : i32
    %mul3A_6 = arith.muli %arg1, %mul3A_5 : i32
    "tpu.region"() ({
      %run_scoped3A = tpu.sem_alloc : memref<!tpu.dma_semaphore, #tpu.memory_space<semaphore_mem>>
      %dma_start3A = arith.constant 0 : i32
      %dma_start3A_17 = tpu.memref_slice %arg10[%mul3A_6, %dma_start3A] : memref<10240x128xf32, #tpu.memory_space<vmem_shared>> -> memref<640x128xf32, #tpu.memory_space<vmem_shared>>
      tpu.enqueue_dma source(%arg5 : memref<640x128xf32, #tpu.memory_space<hbm>>) target(%dma_start3A_17 : memref<640x128xf32, #tpu.memory_space<vmem_shared>>) target_semaphore(%run_scoped3A : memref<!tpu.dma_semaphore, #tpu.memory_space<semaphore_mem>>)
      %dma_wait3A = arith.constant 0 : i32
      %dma_wait3A_18 = tpu.memref_slice %arg10[%mul3A_6, %dma_wait3A] : memref<10240x128xf32, #tpu.memory_space<vmem_shared>> -> memref<640x128xf32, #tpu.memory_space<vmem_shared>>
      tpu.wait_dma2 semaphore(%run_scoped3A : memref<!tpu.dma_semaphore, #tpu.memory_space<semaphore_mem>>) src(%arg5 : memref<640x128xf32, #tpu.memory_space<hbm>>) dst(%dma_wait3A_18 : memref<640x128xf32, #tpu.memory_space<vmem_shared>>)
      tpu.yield
    }) : () -> ()
    %barrier3A = arith.constant 0 : index
    tpu.barrier barrier_id(%barrier3A)
    %scan3A = arith.constant 0 : i32
    %scan3A_7 = arith.constant 0 : i32
    %scan3A_8 = arith.constant 80 : i32
    %scan3A_9 = arith.addi %scan3A_7, %scan3A_8 : i32
    %scan3A_10 = arith.constant 1 : i32
    scf.for %scan3A_17 = %scan3A_7 to %scan3A_9 step %scan3A_10  : i32 {
      %mul3A_18 = arith.constant 128 : i32
      %mul3A_19 = arith.muli %scan3A_17, %mul3A_18 : i32
      %multiple_of3A = tpu.assume_multiple %mul3A_19, 8 : i32
      %dma_start3A = tpu.memref_slice %arg7[%multiple_of3A] : memref<10240xi32, #tpu.memory_space<vmem>> -> memref<128xi32, #tpu.memory_space<vmem>>
      %dma_start3A_20 = arith.constant 0 : i32
      %dma_start3A_21 = arith.constant 0 : i32
      %dma_start3A_22 = tpu.memref_slice %arg2[%dma_start3A_20, %dma_start3A_21] : memref<10000x128xf32, #tpu.memory_space<hbm>> -> memref<10000x128xf32, #tpu.memory_space<hbm>>
      tpu.enqueue_indirect_dma source(%dma_start3A_22 : memref<10000x128xf32, #tpu.memory_space<hbm>>) target(%arg9 : memref<128x128xf32, #tpu.memory_space<vmem>>) offsets(%dma_start3A : memref<128xi32, #tpu.memory_space<vmem>>) semaphore(%arg11 : memref<!tpu.dma_semaphore, #tpu.memory_space<semaphore_mem>>)
      %dma_wait3A = tpu.memref_slice %arg7[%multiple_of3A] : memref<10240xi32, #tpu.memory_space<vmem>> -> memref<128xi32, #tpu.memory_space<vmem>>
      %dma_wait3A_23 = arith.constant 0 : i32
      %dma_wait3A_24 = arith.constant 0 : i32
      %dma_wait3A_25 = tpu.memref_slice %arg2[%dma_wait3A_23, %dma_wait3A_24] : memref<10000x128xf32, #tpu.memory_space<hbm>> -> memref<10000x128xf32, #tpu.memory_space<hbm>>
      tpu.wait_indirect_dma semaphore(%arg11 : memref<!tpu.dma_semaphore, #tpu.memory_space<semaphore_mem>>) src(%dma_wait3A_25 : memref<10000x128xf32, #tpu.memory_space<hbm>>) dst(%arg9 : memref<128x128xf32, #tpu.memory_space<vmem>>)
      "tpu.region"() ({
        %run_scoped3A = tpu.sem_alloc : memref<!tpu.dma_semaphore, #tpu.memory_space<semaphore_mem>>
        %dma_start3A_26 = arith.constant 0 : i32
        %dma_start3A_27 = tpu.memref_slice %arg8[%scan3A_17, %dma_start3A_26] : memref<80x128xi32, #tpu.memory_space<vmem>> -> memref<1x128xi32, #tpu.memory_space<vmem>>
        %dma_start3A_28 = tpu.memref_squeeze %dma_start3A_27 : memref<1x128xi32, #tpu.memory_space<vmem>> -> memref<128xi32, #tpu.memory_space<vmem>>
        %dma_start3A_29 = arith.constant 0 : i32
        %dma_start3A_30 = arith.constant 0 : i32
        %dma_start3A_31 = tpu.memref_slice %arg10[%dma_start3A_29, %dma_start3A_30] : memref<10240x128xf32, #tpu.memory_space<vmem_shared>> -> memref<10240x128xf32, #tpu.memory_space<vmem_shared>>
        tpu.enqueue_indirect_dma source(%arg9 : memref<128x128xf32, #tpu.memory_space<vmem>>) target(%dma_start3A_31 : memref<10240x128xf32, #tpu.memory_space<vmem_shared>>) offsets(%dma_start3A_28 : memref<128xi32, #tpu.memory_space<vmem>>) semaphore(%run_scoped3A : memref<!tpu.dma_semaphore, #tpu.memory_space<semaphore_mem>>) {add = true}
        %dma_wait3A_32 = arith.constant 0 : i32
        %dma_wait3A_33 = tpu.memref_slice %arg8[%scan3A_17, %dma_wait3A_32] : memref<80x128xi32, #tpu.memory_space<vmem>> -> memref<1x128xi32, #tpu.memory_space<vmem>>
        %dma_wait3A_34 = tpu.memref_squeeze %dma_wait3A_33 : memref<1x128xi32, #tpu.memory_space<vmem>> -> memref<128xi32, #tpu.memory_space<vmem>>
        %dma_wait3A_35 = arith.constant 0 : i32
        %dma_wait3A_36 = arith.constant 0 : i32
        %dma_wait3A_37 = tpu.memref_slice %arg10[%dma_wait3A_35, %dma_wait3A_36] : memref<10240x128xf32, #tpu.memory_space<vmem_shared>> -> memref<10240x128xf32, #tpu.memory_space<vmem_shared>>
        tpu.wait_indirect_dma semaphore(%run_scoped3A : memref<!tpu.dma_semaphore, #tpu.memory_space<semaphore_mem>>) src(%arg9 : memref<128x128xf32, #tpu.memory_space<vmem>>) dst(%dma_wait3A_37 : memref<10240x128xf32, #tpu.memory_space<vmem_shared>>)
        tpu.yield
      }) : () -> ()
    }
    %scan3A_11 = arith.constant 80 : i32
    %barrier3A_12 = arith.constant 0 : index
    tpu.barrier barrier_id(%barrier3A_12)
    %mul3A_13 = arith.constant 640 : i32
    %mul3A_14 = arith.muli %arg1, %mul3A_13 : i32
    %mul3A_15 = arith.constant 640 : i32
    %mul3A_16 = arith.muli %arg1, %mul3A_15 : i32
    "tpu.region"() ({
      %run_scoped3A = tpu.sem_alloc : memref<!tpu.dma_semaphore, #tpu.memory_space<semaphore_mem>>
      %dma_start3A = arith.constant 0 : i32
      %dma_start3A_17 = tpu.memref_slice %arg6[%arg0, %mul3A_16, %dma_start3A] : memref<2x10240x128xf32, #tpu.memory_space<hbm>> -> memref<1x640x128xf32, #tpu.memory_space<hbm>>
      %dma_start3A_18 = tpu.memref_squeeze %dma_start3A_17 : memref<1x640x128xf32, #tpu.memory_space<hbm>> -> memref<640x128xf32, #tpu.memory_space<hbm>>
      %dma_start3A_19 = arith.constant 0 : i32
      %dma_start3A_20 = tpu.memref_slice %arg10[%mul3A_14, %dma_start3A_19] : memref<10240x128xf32, #tpu.memory_space<vmem_shared>> -> memref<640x128xf32, #tpu.memory_space<vmem_shared>>
      tpu.enqueue_dma source(%dma_start3A_20 : memref<640x128xf32, #tpu.memory_space<vmem_shared>>) target(%dma_start3A_18 : memref<640x128xf32, #tpu.memory_space<hbm>>) target_semaphore(%run_scoped3A : memref<!tpu.dma_semaphore, #tpu.memory_space<semaphore_mem>>)
      %dma_wait3A = arith.constant 0 : i32
      %dma_wait3A_21 = tpu.memref_slice %arg6[%arg0, %mul3A_16, %dma_wait3A] : memref<2x10240x128xf32, #tpu.memory_space<hbm>> -> memref<1x640x128xf32, #tpu.memory_space<hbm>>
      %dma_wait3A_22 = tpu.memref_squeeze %dma_wait3A_21 : memref<1x640x128xf32, #tpu.memory_space<hbm>> -> memref<640x128xf32, #tpu.memory_space<hbm>>
      %dma_wait3A_23 = arith.constant 0 : i32
      %dma_wait3A_24 = tpu.memref_slice %arg10[%mul3A_14, %dma_wait3A_23] : memref<10240x128xf32, #tpu.memory_space<vmem_shared>> -> memref<640x128xf32, #tpu.memory_space<vmem_shared>>
      tpu.wait_dma2 semaphore(%run_scoped3A : memref<!tpu.dma_semaphore, #tpu.memory_space<semaphore_mem>>) src(%dma_wait3A_24 : memref<640x128xf32, #tpu.memory_space<vmem_shared>>) dst(%dma_wait3A_22 : memref<640x128xf32, #tpu.memory_space<hbm>>)
      tpu.yield
    }) : () -> ()
    return
  }
}

#map = affine_map<(d0, d1) -> (0, 0)>
#map1 = affine_map<(d0, d1) -> (0)>
#map2 = affine_map<(d0, d1) -> (0, 0, 0)>
module attributes {stable_mosaic.version = 14 : i64} {
  func.func @_segsum_body(%arg0: i32, %arg1: i32, %arg2: memref<10000x128xf32, #tpu.memory_space<hbm>>, %arg3: memref<327680xi32, #tpu.memory_space<hbm>>, %arg4: memref<2560x128xi32, #tpu.memory_space<hbm>>, %arg5: memref<640x128xf32, #tpu.memory_space<hbm>>, %arg6: memref<2x10240x128xf32, #tpu.memory_space<hbm>>, %arg7: memref<10240xi32, #tpu.memory_space<vmem>>, %arg8: memref<80x128xi32, #tpu.memory_space<vmem>>, %arg9: memref<128x128xf32, #tpu.memory_space<vmem>>, %arg10: memref<10240x128xf32, #tpu.memory_space<vmem_shared>>, %arg11: memref<!tpu.dma_semaphore, #tpu.memory_space<semaphore_mem>>) attributes {dimension_semantics = [#tpu.dimension_semantics<core_parallel>, #tpu.dimension_semantics<subcore_parallel>], iteration_bounds = array<i64: 2, 16>, scalar_prefetch = 0 : i64, scratch_operands = 5 : i64, tpu.core_type = #tpu.core_type<sc_vector_subcore>, window_params = [{transform_indices = #map}, {transform_indices = #map1}, {transform_indices = #map}, {transform_indices = #map}, {transform_indices = #map2}]} {
    %mul3A = arith.constant 2 : i32
    %mul3A_0 = arith.muli %arg1, %mul3A : i32
    %add3A = arith.addi %mul3A_0, %arg0 : i32
    %mul3A_1 = arith.constant 10240 : i32
    %mul3A_2 = arith.muli %add3A, %mul3A_1 : i32
    "tpu.region"() ({
      %run_scoped3A = tpu.sem_alloc : memref<!tpu.dma_semaphore, #tpu.memory_space<semaphore_mem>>
      %dma_start3A = tpu.memref_slice %arg3[%mul3A_2] : memref<327680xi32, #tpu.memory_space<hbm>> -> memref<10240xi32, #tpu.memory_space<hbm>>
      %dma_start3A_17 = tpu.memref_slice %arg3[%mul3A_2] : memref<327680xi32, #tpu.memory_space<hbm>> -> memref<10240xi32, #tpu.memory_space<hbm>>
      tpu.enqueue_dma source(%dma_start3A_17 : memref<10240xi32, #tpu.memory_space<hbm>>) target(%arg7 : memref<10240xi32, #tpu.memory_space<vmem>>) target_semaphore(%run_scoped3A : memref<!tpu.dma_semaphore, #tpu.memory_space<semaphore_mem>>)
      %dma_wait3A = tpu.memref_slice %arg3[%mul3A_2] : memref<327680xi32, #tpu.memory_space<hbm>> -> memref<10240xi32, #tpu.memory_space<hbm>>
      %dma_wait3A_18 = tpu.memref_slice %arg3[%mul3A_2] : memref<327680xi32, #tpu.memory_space<hbm>> -> memref<10240xi32, #tpu.memory_space<hbm>>
      tpu.wait_dma2 semaphore(%run_scoped3A : memref<!tpu.dma_semaphore, #tpu.memory_space<semaphore_mem>>) src(%dma_wait3A_18 : memref<10240xi32, #tpu.memory_space<hbm>>) dst(%arg7 : memref<10240xi32, #tpu.memory_space<vmem>>)
      tpu.yield
    }) : () -> ()
    %mul3A_3 = arith.constant 80 : i32
    %mul3A_4 = arith.muli %add3A, %mul3A_3 : i32
    "tpu.region"() ({
      %run_scoped3A = tpu.sem_alloc : memref<!tpu.dma_semaphore, #tpu.memory_space<semaphore_mem>>
      %dma_start3A = arith.constant 0 : i32
      %dma_start3A_17 = tpu.memref_slice %arg4[%mul3A_4, %dma_start3A] : memref<2560x128xi32, #tpu.memory_space<hbm>> -> memref<80x128xi32, #tpu.memory_space<hbm>>
      %dma_start3A_18 = arith.constant 0 : i32
      %dma_start3A_19 = tpu.memref_slice %arg4[%mul3A_4, %dma_start3A_18] : memref<2560x128xi32, #tpu.memory_space<hbm>> -> memref<80x128xi32, #tpu.memory_space<hbm>>
      tpu.enqueue_dma source(%dma_start3A_19 : memref<80x128xi32, #tpu.memory_space<hbm>>) target(%arg8 : memref<80x128xi32, #tpu.memory_space<vmem>>) target_semaphore(%run_scoped3A : memref<!tpu.dma_semaphore, #tpu.memory_space<semaphore_mem>>)
      %dma_wait3A = arith.constant 0 : i32
      %dma_wait3A_20 = tpu.memref_slice %arg4[%mul3A_4, %dma_wait3A] : memref<2560x128xi32, #tpu.memory_space<hbm>> -> memref<80x128xi32, #tpu.memory_space<hbm>>
      %dma_wait3A_21 = arith.constant 0 : i32
      %dma_wait3A_22 = tpu.memref_slice %arg4[%mul3A_4, %dma_wait3A_21] : memref<2560x128xi32, #tpu.memory_space<hbm>> -> memref<80x128xi32, #tpu.memory_space<hbm>>
      tpu.wait_dma2 semaphore(%run_scoped3A : memref<!tpu.dma_semaphore, #tpu.memory_space<semaphore_mem>>) src(%dma_wait3A_22 : memref<80x128xi32, #tpu.memory_space<hbm>>) dst(%arg8 : memref<80x128xi32, #tpu.memory_space<vmem>>)
      tpu.yield
    }) : () -> ()
    %mul3A_5 = arith.constant 640 : i32
    %mul3A_6 = arith.muli %arg1, %mul3A_5 : i32
    "tpu.region"() ({
      %run_scoped3A = tpu.sem_alloc : memref<!tpu.dma_semaphore, #tpu.memory_space<semaphore_mem>>
      %dma_start3A = arith.constant 0 : i32
      %dma_start3A_17 = tpu.memref_slice %arg10[%mul3A_6, %dma_start3A] : memref<10240x128xf32, #tpu.memory_space<vmem_shared>> -> memref<640x128xf32, #tpu.memory_space<vmem_shared>>
      tpu.enqueue_dma source(%arg5 : memref<640x128xf32, #tpu.memory_space<hbm>>) target(%dma_start3A_17 : memref<640x128xf32, #tpu.memory_space<vmem_shared>>) target_semaphore(%run_scoped3A : memref<!tpu.dma_semaphore, #tpu.memory_space<semaphore_mem>>)
      %dma_wait3A = arith.constant 0 : i32
      %dma_wait3A_18 = tpu.memref_slice %arg10[%mul3A_6, %dma_wait3A] : memref<10240x128xf32, #tpu.memory_space<vmem_shared>> -> memref<640x128xf32, #tpu.memory_space<vmem_shared>>
      tpu.wait_dma2 semaphore(%run_scoped3A : memref<!tpu.dma_semaphore, #tpu.memory_space<semaphore_mem>>) src(%arg5 : memref<640x128xf32, #tpu.memory_space<hbm>>) dst(%dma_wait3A_18 : memref<640x128xf32, #tpu.memory_space<vmem_shared>>)
      tpu.yield
    }) : () -> ()
    %barrier3A = arith.constant 0 : index
    tpu.barrier barrier_id(%barrier3A)
    %scan3A = arith.constant 0 : i32
    %scan3A_7 = arith.constant 0 : i32
    %scan3A_8 = arith.constant 80 : i32
    %scan3A_9 = arith.addi %scan3A_7, %scan3A_8 : i32
    %scan3A_10 = arith.constant 1 : i32
    scf.for %scan3A_17 = %scan3A_7 to %scan3A_9 step %scan3A_10  : i32 {
      %mul3A_18 = arith.constant 128 : i32
      %mul3A_19 = arith.muli %scan3A_17, %mul3A_18 : i32
      %multiple_of3A = tpu.assume_multiple %mul3A_19, 8 : i32
      %dma_start3A = tpu.memref_slice %arg7[%multiple_of3A] : memref<10240xi32, #tpu.memory_space<vmem>> -> memref<128xi32, #tpu.memory_space<vmem>>
      %dma_start3A_20 = arith.constant 0 : i32
      %dma_start3A_21 = arith.constant 0 : i32
      %dma_start3A_22 = tpu.memref_slice %arg2[%dma_start3A_20, %dma_start3A_21] : memref<10000x128xf32, #tpu.memory_space<hbm>> -> memref<10000x128xf32, #tpu.memory_space<hbm>>
      tpu.enqueue_indirect_dma source(%dma_start3A_22 : memref<10000x128xf32, #tpu.memory_space<hbm>>) target(%arg9 : memref<128x128xf32, #tpu.memory_space<vmem>>) offsets(%dma_start3A : memref<128xi32, #tpu.memory_space<vmem>>) semaphore(%arg11 : memref<!tpu.dma_semaphore, #tpu.memory_space<semaphore_mem>>)
      %dma_wait3A = tpu.memref_slice %arg7[%multiple_of3A] : memref<10240xi32, #tpu.memory_space<vmem>> -> memref<128xi32, #tpu.memory_space<vmem>>
      %dma_wait3A_23 = arith.constant 0 : i32
      %dma_wait3A_24 = arith.constant 0 : i32
      %dma_wait3A_25 = tpu.memref_slice %arg2[%dma_wait3A_23, %dma_wait3A_24] : memref<10000x128xf32, #tpu.memory_space<hbm>> -> memref<10000x128xf32, #tpu.memory_space<hbm>>
      tpu.wait_indirect_dma semaphore(%arg11 : memref<!tpu.dma_semaphore, #tpu.memory_space<semaphore_mem>>) src(%dma_wait3A_25 : memref<10000x128xf32, #tpu.memory_space<hbm>>) dst(%arg9 : memref<128x128xf32, #tpu.memory_space<vmem>>)
      "tpu.region"() ({
        %run_scoped3A = tpu.sem_alloc : memref<!tpu.dma_semaphore, #tpu.memory_space<semaphore_mem>>
        %dma_start3A_26 = arith.constant 0 : i32
        %dma_start3A_27 = tpu.memref_slice %arg8[%scan3A_17, %dma_start3A_26] : memref<80x128xi32, #tpu.memory_space<vmem>> -> memref<1x128xi32, #tpu.memory_space<vmem>>
        %dma_start3A_28 = tpu.memref_squeeze %dma_start3A_27 : memref<1x128xi32, #tpu.memory_space<vmem>> -> memref<128xi32, #tpu.memory_space<vmem>>
        %dma_start3A_29 = arith.constant 0 : i32
        %dma_start3A_30 = arith.constant 0 : i32
        %dma_start3A_31 = tpu.memref_slice %arg10[%dma_start3A_29, %dma_start3A_30] : memref<10240x128xf32, #tpu.memory_space<vmem_shared>> -> memref<10240x128xf32, #tpu.memory_space<vmem_shared>>
        tpu.enqueue_indirect_dma source(%arg9 : memref<128x128xf32, #tpu.memory_space<vmem>>) target(%dma_start3A_31 : memref<10240x128xf32, #tpu.memory_space<vmem_shared>>) offsets(%dma_start3A_28 : memref<128xi32, #tpu.memory_space<vmem>>) semaphore(%run_scoped3A : memref<!tpu.dma_semaphore, #tpu.memory_space<semaphore_mem>>) {add = true}
        %dma_wait3A_32 = arith.constant 0 : i32
        %dma_wait3A_33 = tpu.memref_slice %arg8[%scan3A_17, %dma_wait3A_32] : memref<80x128xi32, #tpu.memory_space<vmem>> -> memref<1x128xi32, #tpu.memory_space<vmem>>
        %dma_wait3A_34 = tpu.memref_squeeze %dma_wait3A_33 : memref<1x128xi32, #tpu.memory_space<vmem>> -> memref<128xi32, #tpu.memory_space<vmem>>
        %dma_wait3A_35 = arith.constant 0 : i32
        %dma_wait3A_36 = arith.constant 0 : i32
        %dma_wait3A_37 = tpu.memref_slice %arg10[%dma_wait3A_35, %dma_wait3A_36] : memref<10240x128xf32, #tpu.memory_space<vmem_shared>> -> memref<10240x128xf32, #tpu.memory_space<vmem_shared>>
        tpu.wait_indirect_dma semaphore(%run_scoped3A : memref<!tpu.dma_semaphore, #tpu.memory_space<semaphore_mem>>) src(%arg9 : memref<128x128xf32, #tpu.memory_space<vmem>>) dst(%dma_wait3A_37 : memref<10240x128xf32, #tpu.memory_space<vmem_shared>>)
        tpu.yield
      }) : () -> ()
    }
    %scan3A_11 = arith.constant 80 : i32
    %barrier3A_12 = arith.constant 0 : index
    tpu.barrier barrier_id(%barrier3A_12)
    %mul3A_13 = arith.constant 640 : i32
    %mul3A_14 = arith.muli %arg1, %mul3A_13 : i32
    %mul3A_15 = arith.constant 640 : i32
    %mul3A_16 = arith.muli %arg1, %mul3A_15 : i32
    "tpu.region"() ({
      %run_scoped3A = tpu.sem_alloc : memref<!tpu.dma_semaphore, #tpu.memory_space<semaphore_mem>>
      %dma_start3A = arith.constant 0 : i32
      %dma_start3A_17 = tpu.memref_slice %arg6[%arg0, %mul3A_16, %dma_start3A] : memref<2x10240x128xf32, #tpu.memory_space<hbm>> -> memref<1x640x128xf32, #tpu.memory_space<hbm>>
      %dma_start3A_18 = tpu.memref_squeeze %dma_start3A_17 : memref<1x640x128xf32, #tpu.memory_space<hbm>> -> memref<640x128xf32, #tpu.memory_space<hbm>>
      %dma_start3A_19 = arith.constant 0 : i32
      %dma_start3A_20 = tpu.memref_slice %arg10[%mul3A_14, %dma_start3A_19] : memref<10240x128xf32, #tpu.memory_space<vmem_shared>> -> memref<640x128xf32, #tpu.memory_space<vmem_shared>>
      tpu.enqueue_dma source(%dma_start3A_20 : memref<640x128xf32, #tpu.memory_space<vmem_shared>>) target(%dma_start3A_18 : memref<640x128xf32, #tpu.memory_space<hbm>>) target_semaphore(%run_scoped3A : memref<!tpu.dma_semaphore, #tpu.memory_space<semaphore_mem>>)
      %dma_wait3A = arith.constant 0 : i32
      %dma_wait3A_21 = tpu.memref_slice %arg6[%arg0, %mul3A_16, %dma_wait3A] : memref<2x10240x128xf32, #tpu.memory_space<hbm>> -> memref<1x640x128xf32, #tpu.memory_space<hbm>>
      %dma_wait3A_22 = tpu.memref_squeeze %dma_wait3A_21 : memref<1x640x128xf32, #tpu.memory_space<hbm>> -> memref<640x128xf32, #tpu.memory_space<hbm>>
      %dma_wait3A_23 = arith.constant 0 : i32
      %dma_wait3A_24 = tpu.memref_slice %arg10[%mul3A_14, %dma_wait3A_23] : memref<10240x128xf32, #tpu.memory_space<vmem_shared>> -> memref<640x128xf32, #tpu.memory_space<vmem_shared>>
      tpu.wait_dma2 semaphore(%run_scoped3A : memref<!tpu.dma_semaphore, #tpu.memory_space<semaphore_mem>>) src(%dma_wait3A_24 : memref<640x128xf32, #tpu.memory_space<vmem_shared>>) dst(%dma_wait3A_22 : memref<640x128xf32, #tpu.memory_space<hbm>>)
      tpu.yield
    }) : () -> ()
    return
  }
}

#map = affine_map<(d0, d1) -> (0, 0)>
#map1 = affine_map<(d0, d1) -> (0, 0, 0)>
module attributes {stable_mosaic.version = 14 : i64} {
  func.func @_count_body(%arg0: i32, %arg1: i32, %arg2: memref<2560x128xi32, #tpu.memory_space<hbm>>, %arg3: memref<640x128xf32, #tpu.memory_space<hbm>>, %arg4: memref<128x128xf32, #tpu.memory_space<hbm>>, %arg5: memref<2x10240x128xf32, #tpu.memory_space<hbm>>, %arg6: memref<80x128xi32, #tpu.memory_space<vmem>>, %arg7: memref<128x128xf32, #tpu.memory_space<vmem>>, %arg8: memref<10240x128xf32, #tpu.memory_space<vmem_shared>>, %arg9: memref<!tpu.dma_semaphore, #tpu.memory_space<semaphore_mem>>) attributes {dimension_semantics = [#tpu.dimension_semantics<core_parallel>, #tpu.dimension_semantics<subcore_parallel>], iteration_bounds = array<i64: 2, 16>, scalar_prefetch = 0 : i64, scratch_operands = 4 : i64, tpu.core_type = #tpu.core_type<sc_vector_subcore>, window_params = [{transform_indices = #map}, {transform_indices = #map}, {transform_indices = #map}, {transform_indices = #map1}]} {
    %mul3A = arith.constant 2 : i32
    %mul3A_0 = arith.muli %arg1, %mul3A : i32
    %add3A = arith.addi %mul3A_0, %arg0 : i32
    %mul3A_1 = arith.constant 80 : i32
    %mul3A_2 = arith.muli %add3A, %mul3A_1 : i32
    "tpu.region"() ({
      %run_scoped3A = tpu.sem_alloc : memref<!tpu.dma_semaphore, #tpu.memory_space<semaphore_mem>>
      %dma_start3A = arith.constant 0 : i32
      %dma_start3A_15 = tpu.memref_slice %arg2[%mul3A_2, %dma_start3A] : memref<2560x128xi32, #tpu.memory_space<hbm>> -> memref<80x128xi32, #tpu.memory_space<hbm>>
      %dma_start3A_16 = arith.constant 0 : i32
      %dma_start3A_17 = tpu.memref_slice %arg2[%mul3A_2, %dma_start3A_16] : memref<2560x128xi32, #tpu.memory_space<hbm>> -> memref<80x128xi32, #tpu.memory_space<hbm>>
      tpu.enqueue_dma source(%dma_start3A_17 : memref<80x128xi32, #tpu.memory_space<hbm>>) target(%arg6 : memref<80x128xi32, #tpu.memory_space<vmem>>) target_semaphore(%run_scoped3A : memref<!tpu.dma_semaphore, #tpu.memory_space<semaphore_mem>>)
      %dma_wait3A = arith.constant 0 : i32
      %dma_wait3A_18 = tpu.memref_slice %arg2[%mul3A_2, %dma_wait3A] : memref<2560x128xi32, #tpu.memory_space<hbm>> -> memref<80x128xi32, #tpu.memory_space<hbm>>
      %dma_wait3A_19 = arith.constant 0 : i32
      %dma_wait3A_20 = tpu.memref_slice %arg2[%mul3A_2, %dma_wait3A_19] : memref<2560x128xi32, #tpu.memory_space<hbm>> -> memref<80x128xi32, #tpu.memory_space<hbm>>
      tpu.wait_dma2 semaphore(%run_scoped3A : memref<!tpu.dma_semaphore, #tpu.memory_space<semaphore_mem>>) src(%dma_wait3A_20 : memref<80x128xi32, #tpu.memory_space<hbm>>) dst(%arg6 : memref<80x128xi32, #tpu.memory_space<vmem>>)
      tpu.yield
    }) : () -> ()
    %mul3A_3 = arith.constant 640 : i32
    %mul3A_4 = arith.muli %arg1, %mul3A_3 : i32
    "tpu.region"() ({
      %run_scoped3A = tpu.sem_alloc : memref<!tpu.dma_semaphore, #tpu.memory_space<semaphore_mem>>
      %dma_start3A = arith.constant 0 : i32
      %dma_start3A_15 = tpu.memref_slice %arg8[%mul3A_4, %dma_start3A] : memref<10240x128xf32, #tpu.memory_space<vmem_shared>> -> memref<640x128xf32, #tpu.memory_space<vmem_shared>>
      tpu.enqueue_dma source(%arg3 : memref<640x128xf32, #tpu.memory_space<hbm>>) target(%dma_start3A_15 : memref<640x128xf32, #tpu.memory_space<vmem_shared>>) target_semaphore(%run_scoped3A : memref<!tpu.dma_semaphore, #tpu.memory_space<semaphore_mem>>)
      %dma_wait3A = arith.constant 0 : i32
      %dma_wait3A_16 = tpu.memref_slice %arg8[%mul3A_4, %dma_wait3A] : memref<10240x128xf32, #tpu.memory_space<vmem_shared>> -> memref<640x128xf32, #tpu.memory_space<vmem_shared>>
      tpu.wait_dma2 semaphore(%run_scoped3A : memref<!tpu.dma_semaphore, #tpu.memory_space<semaphore_mem>>) src(%arg3 : memref<640x128xf32, #tpu.memory_space<hbm>>) dst(%dma_wait3A_16 : memref<640x128xf32, #tpu.memory_space<vmem_shared>>)
      tpu.yield
    }) : () -> ()
    "tpu.region"() ({
      %run_scoped3A = tpu.sem_alloc : memref<!tpu.dma_semaphore, #tpu.memory_space<semaphore_mem>>
      tpu.enqueue_dma source(%arg4 : memref<128x128xf32, #tpu.memory_space<hbm>>) target(%arg7 : memref<128x128xf32, #tpu.memory_space<vmem>>) target_semaphore(%run_scoped3A : memref<!tpu.dma_semaphore, #tpu.memory_space<semaphore_mem>>)
      tpu.wait_dma2 semaphore(%run_scoped3A : memref<!tpu.dma_semaphore, #tpu.memory_space<semaphore_mem>>) src(%arg4 : memref<128x128xf32, #tpu.memory_space<hbm>>) dst(%arg7 : memref<128x128xf32, #tpu.memory_space<vmem>>)
      tpu.yield
    }) : () -> ()
    %barrier3A = arith.constant 0 : index
    tpu.barrier barrier_id(%barrier3A)
    %scan3A = arith.constant 0 : i32
    %scan3A_5 = arith.constant 0 : i32
    %scan3A_6 = arith.constant 80 : i32
    %scan3A_7 = arith.addi %scan3A_5, %scan3A_6 : i32
    %scan3A_8 = arith.constant 1 : i32
    scf.for %scan3A_15 = %scan3A_5 to %scan3A_7 step %scan3A_8  : i32 {
      "tpu.region"() ({
        %run_scoped3A = tpu.sem_alloc : memref<!tpu.dma_semaphore, #tpu.memory_space<semaphore_mem>>
        %dma_start3A = arith.constant 0 : i32
        %dma_start3A_16 = tpu.memref_slice %arg6[%scan3A_15, %dma_start3A] : memref<80x128xi32, #tpu.memory_space<vmem>> -> memref<1x128xi32, #tpu.memory_space<vmem>>
        %dma_start3A_17 = tpu.memref_squeeze %dma_start3A_16 : memref<1x128xi32, #tpu.memory_space<vmem>> -> memref<128xi32, #tpu.memory_space<vmem>>
        %dma_start3A_18 = arith.constant 0 : i32
        %dma_start3A_19 = arith.constant 0 : i32
        %dma_start3A_20 = tpu.memref_slice %arg8[%dma_start3A_18, %dma_start3A_19] : memref<10240x128xf32, #tpu.memory_space<vmem_shared>> -> memref<10240x128xf32, #tpu.memory_space<vmem_shared>>
        tpu.enqueue_indirect_dma source(%arg7 : memref<128x128xf32, #tpu.memory_space<vmem>>) target(%dma_start3A_20 : memref<10240x128xf32, #tpu.memory_space<vmem_shared>>) offsets(%dma_start3A_17 : memref<128xi32, #tpu.memory_space<vmem>>) semaphore(%run_scoped3A : memref<!tpu.dma_semaphore, #tpu.memory_space<semaphore_mem>>) {add = true}
        %dma_wait3A = arith.constant 0 : i32
        %dma_wait3A_21 = tpu.memref_slice %arg6[%scan3A_15, %dma_wait3A] : memref<80x128xi32, #tpu.memory_space<vmem>> -> memref<1x128xi32, #tpu.memory_space<vmem>>
        %dma_wait3A_22 = tpu.memref_squeeze %dma_wait3A_21 : memref<1x128xi32, #tpu.memory_space<vmem>> -> memref<128xi32, #tpu.memory_space<vmem>>
        %dma_wait3A_23 = arith.constant 0 : i32
        %dma_wait3A_24 = arith.constant 0 : i32
        %dma_wait3A_25 = tpu.memref_slice %arg8[%dma_wait3A_23, %dma_wait3A_24] : memref<10240x128xf32, #tpu.memory_space<vmem_shared>> -> memref<10240x128xf32, #tpu.memory_space<vmem_shared>>
        tpu.wait_indirect_dma semaphore(%run_scoped3A : memref<!tpu.dma_semaphore, #tpu.memory_space<semaphore_mem>>) src(%arg7 : memref<128x128xf32, #tpu.memory_space<vmem>>) dst(%dma_wait3A_25 : memref<10240x128xf32, #tpu.memory_space<vmem_shared>>)
        tpu.yield
      }) : () -> ()
    }
    %scan3A_9 = arith.constant 80 : i32
    %barrier3A_10 = arith.constant 0 : index
    tpu.barrier barrier_id(%barrier3A_10)
    %mul3A_11 = arith.constant 640 : i32
    %mul3A_12 = arith.muli %arg1, %mul3A_11 : i32
    %mul3A_13 = arith.constant 640 : i32
    %mul3A_14 = arith.muli %arg1, %mul3A_13 : i32
    "tpu.region"() ({
      %run_scoped3A = tpu.sem_alloc : memref<!tpu.dma_semaphore, #tpu.memory_space<semaphore_mem>>
      %dma_start3A = arith.constant 0 : i32
      %dma_start3A_15 = tpu.memref_slice %arg5[%arg0, %mul3A_14, %dma_start3A] : memref<2x10240x128xf32, #tpu.memory_space<hbm>> -> memref<1x640x128xf32, #tpu.memory_space<hbm>>
      %dma_start3A_16 = tpu.memref_squeeze %dma_start3A_15 : memref<1x640x128xf32, #tpu.memory_space<hbm>> -> memref<640x128xf32, #tpu.memory_space<hbm>>
      %dma_start3A_17 = arith.constant 0 : i32
      %dma_start3A_18 = tpu.memref_slice %arg8[%mul3A_12, %dma_start3A_17] : memref<10240x128xf32, #tpu.memory_space<vmem_shared>> -> memref<640x128xf32, #tpu.memory_space<vmem_shared>>
      tpu.enqueue_dma source(%dma_start3A_18 : memref<640x128xf32, #tpu.memory_space<vmem_shared>>) target(%dma_start3A_16 : memref<640x128xf32, #tpu.memory_space<hbm>>) target_semaphore(%run_scoped3A : memref<!tpu.dma_semaphore, #tpu.memory_space<semaphore_mem>>)
      %dma_wait3A = arith.constant 0 : i32
      %dma_wait3A_19 = tpu.memref_slice %arg5[%arg0, %mul3A_14, %dma_wait3A] : memref<2x10240x128xf32, #tpu.memory_space<hbm>> -> memref<1x640x128xf32, #tpu.memory_space<hbm>>
      %dma_wait3A_20 = tpu.memref_squeeze %dma_wait3A_19 : memref<1x640x128xf32, #tpu.memory_space<hbm>> -> memref<640x128xf32, #tpu.memory_space<hbm>>
      %dma_wait3A_21 = arith.constant 0 : i32
      %dma_wait3A_22 = tpu.memref_slice %arg8[%mul3A_12, %dma_wait3A_21] : memref<10240x128xf32, #tpu.memory_space<vmem_shared>> -> memref<640x128xf32, #tpu.memory_space<vmem_shared>>
      tpu.wait_dma2 semaphore(%run_scoped3A : memref<!tpu.dma_semaphore, #tpu.memory_space<semaphore_mem>>) src(%dma_wait3A_22 : memref<640x128xf32, #tpu.memory_space<vmem_shared>>) dst(%dma_wait3A_20 : memref<640x128xf32, #tpu.memory_space<hbm>>)
      tpu.yield
    }) : () -> ()
    return
  }
}

#map = affine_map<(d0, d1) -> (0, 0)>
#map1 = affine_map<(d0, d1) -> (0, 0, 0)>
module attributes {stable_mosaic.version = 14 : i64} {
  func.func @_count_body(%arg0: i32, %arg1: i32, %arg2: memref<2560x128xi32, #tpu.memory_space<hbm>>, %arg3: memref<640x128xf32, #tpu.memory_space<hbm>>, %arg4: memref<128x128xf32, #tpu.memory_space<hbm>>, %arg5: memref<2x10240x128xf32, #tpu.memory_space<hbm>>, %arg6: memref<80x128xi32, #tpu.memory_space<vmem>>, %arg7: memref<128x128xf32, #tpu.memory_space<vmem>>, %arg8: memref<10240x128xf32, #tpu.memory_space<vmem_shared>>, %arg9: memref<!tpu.dma_semaphore, #tpu.memory_space<semaphore_mem>>) attributes {dimension_semantics = [#tpu.dimension_semantics<core_parallel>, #tpu.dimension_semantics<subcore_parallel>], iteration_bounds = array<i64: 2, 16>, scalar_prefetch = 0 : i64, scratch_operands = 4 : i64, tpu.core_type = #tpu.core_type<sc_vector_subcore>, window_params = [{transform_indices = #map}, {transform_indices = #map}, {transform_indices = #map}, {transform_indices = #map1}]} {
    %mul3A = arith.constant 2 : i32
    %mul3A_0 = arith.muli %arg1, %mul3A : i32
    %add3A = arith.addi %mul3A_0, %arg0 : i32
    %mul3A_1 = arith.constant 80 : i32
    %mul3A_2 = arith.muli %add3A, %mul3A_1 : i32
    "tpu.region"() ({
      %run_scoped3A = tpu.sem_alloc : memref<!tpu.dma_semaphore, #tpu.memory_space<semaphore_mem>>
      %dma_start3A = arith.constant 0 : i32
      %dma_start3A_15 = tpu.memref_slice %arg2[%mul3A_2, %dma_start3A] : memref<2560x128xi32, #tpu.memory_space<hbm>> -> memref<80x128xi32, #tpu.memory_space<hbm>>
      %dma_start3A_16 = arith.constant 0 : i32
      %dma_start3A_17 = tpu.memref_slice %arg2[%mul3A_2, %dma_start3A_16] : memref<2560x128xi32, #tpu.memory_space<hbm>> -> memref<80x128xi32, #tpu.memory_space<hbm>>
      tpu.enqueue_dma source(%dma_start3A_17 : memref<80x128xi32, #tpu.memory_space<hbm>>) target(%arg6 : memref<80x128xi32, #tpu.memory_space<vmem>>) target_semaphore(%run_scoped3A : memref<!tpu.dma_semaphore, #tpu.memory_space<semaphore_mem>>)
      %dma_wait3A = arith.constant 0 : i32
      %dma_wait3A_18 = tpu.memref_slice %arg2[%mul3A_2, %dma_wait3A] : memref<2560x128xi32, #tpu.memory_space<hbm>> -> memref<80x128xi32, #tpu.memory_space<hbm>>
      %dma_wait3A_19 = arith.constant 0 : i32
      %dma_wait3A_20 = tpu.memref_slice %arg2[%mul3A_2, %dma_wait3A_19] : memref<2560x128xi32, #tpu.memory_space<hbm>> -> memref<80x128xi32, #tpu.memory_space<hbm>>
      tpu.wait_dma2 semaphore(%run_scoped3A : memref<!tpu.dma_semaphore, #tpu.memory_space<semaphore_mem>>) src(%dma_wait3A_20 : memref<80x128xi32, #tpu.memory_space<hbm>>) dst(%arg6 : memref<80x128xi32, #tpu.memory_space<vmem>>)
      tpu.yield
    }) : () -> ()
    %mul3A_3 = arith.constant 640 : i32
    %mul3A_4 = arith.muli %arg1, %mul3A_3 : i32
    "tpu.region"() ({
      %run_scoped3A = tpu.sem_alloc : memref<!tpu.dma_semaphore, #tpu.memory_space<semaphore_mem>>
      %dma_start3A = arith.constant 0 : i32
      %dma_start3A_15 = tpu.memref_slice %arg8[%mul3A_4, %dma_start3A] : memref<10240x128xf32, #tpu.memory_space<vmem_shared>> -> memref<640x128xf32, #tpu.memory_space<vmem_shared>>
      tpu.enqueue_dma source(%arg3 : memref<640x128xf32, #tpu.memory_space<hbm>>) target(%dma_start3A_15 : memref<640x128xf32, #tpu.memory_space<vmem_shared>>) target_semaphore(%run_scoped3A : memref<!tpu.dma_semaphore, #tpu.memory_space<semaphore_mem>>)
      %dma_wait3A = arith.constant 0 : i32
      %dma_wait3A_16 = tpu.memref_slice %arg8[%mul3A_4, %dma_wait3A] : memref<10240x128xf32, #tpu.memory_space<vmem_shared>> -> memref<640x128xf32, #tpu.memory_space<vmem_shared>>
      tpu.wait_dma2 semaphore(%run_scoped3A : memref<!tpu.dma_semaphore, #tpu.memory_space<semaphore_mem>>) src(%arg3 : memref<640x128xf32, #tpu.memory_space<hbm>>) dst(%dma_wait3A_16 : memref<640x128xf32, #tpu.memory_space<vmem_shared>>)
      tpu.yield
    }) : () -> ()
    "tpu.region"() ({
      %run_scoped3A = tpu.sem_alloc : memref<!tpu.dma_semaphore, #tpu.memory_space<semaphore_mem>>
      tpu.enqueue_dma source(%arg4 : memref<128x128xf32, #tpu.memory_space<hbm>>) target(%arg7 : memref<128x128xf32, #tpu.memory_space<vmem>>) target_semaphore(%run_scoped3A : memref<!tpu.dma_semaphore, #tpu.memory_space<semaphore_mem>>)
      tpu.wait_dma2 semaphore(%run_scoped3A : memref<!tpu.dma_semaphore, #tpu.memory_space<semaphore_mem>>) src(%arg4 : memref<128x128xf32, #tpu.memory_space<hbm>>) dst(%arg7 : memref<128x128xf32, #tpu.memory_space<vmem>>)
      tpu.yield
    }) : () -> ()
    %barrier3A = arith.constant 0 : index
    tpu.barrier barrier_id(%barrier3A)
    %scan3A = arith.constant 0 : i32
    %scan3A_5 = arith.constant 0 : i32
    %scan3A_6 = arith.constant 80 : i32
    %scan3A_7 = arith.addi %scan3A_5, %scan3A_6 : i32
    %scan3A_8 = arith.constant 1 : i32
    scf.for %scan3A_15 = %scan3A_5 to %scan3A_7 step %scan3A_8  : i32 {
      "tpu.region"() ({
        %run_scoped3A = tpu.sem_alloc : memref<!tpu.dma_semaphore, #tpu.memory_space<semaphore_mem>>
        %dma_start3A = arith.constant 0 : i32
        %dma_start3A_16 = tpu.memref_slice %arg6[%scan3A_15, %dma_start3A] : memref<80x128xi32, #tpu.memory_space<vmem>> -> memref<1x128xi32, #tpu.memory_space<vmem>>
        %dma_start3A_17 = tpu.memref_squeeze %dma_start3A_16 : memref<1x128xi32, #tpu.memory_space<vmem>> -> memref<128xi32, #tpu.memory_space<vmem>>
        %dma_start3A_18 = arith.constant 0 : i32
        %dma_start3A_19 = arith.constant 0 : i32
        %dma_start3A_20 = tpu.memref_slice %arg8[%dma_start3A_18, %dma_start3A_19] : memref<10240x128xf32, #tpu.memory_space<vmem_shared>> -> memref<10240x128xf32, #tpu.memory_space<vmem_shared>>
        tpu.enqueue_indirect_dma source(%arg7 : memref<128x128xf32, #tpu.memory_space<vmem>>) target(%dma_start3A_20 : memref<10240x128xf32, #tpu.memory_space<vmem_shared>>) offsets(%dma_start3A_17 : memref<128xi32, #tpu.memory_space<vmem>>) semaphore(%run_scoped3A : memref<!tpu.dma_semaphore, #tpu.memory_space<semaphore_mem>>) {add = true}
        %dma_wait3A = arith.constant 0 : i32
        %dma_wait3A_21 = tpu.memref_slice %arg6[%scan3A_15, %dma_wait3A] : memref<80x128xi32, #tpu.memory_space<vmem>> -> memref<1x128xi32, #tpu.memory_space<vmem>>
        %dma_wait3A_22 = tpu.memref_squeeze %dma_wait3A_21 : memref<1x128xi32, #tpu.memory_space<vmem>> -> memref<128xi32, #tpu.memory_space<vmem>>
        %dma_wait3A_23 = arith.constant 0 : i32
        %dma_wait3A_24 = arith.constant 0 : i32
        %dma_wait3A_25 = tpu.memref_slice %arg8[%dma_wait3A_23, %dma_wait3A_24] : memref<10240x128xf32, #tpu.memory_space<vmem_shared>> -> memref<10240x128xf32, #tpu.memory_space<vmem_shared>>
        tpu.wait_indirect_dma semaphore(%run_scoped3A : memref<!tpu.dma_semaphore, #tpu.memory_space<semaphore_mem>>) src(%arg7 : memref<128x128xf32, #tpu.memory_space<vmem>>) dst(%dma_wait3A_25 : memref<10240x128xf32, #tpu.memory_space<vmem_shared>>)
        tpu.yield
      }) : () -> ()
    }
    %scan3A_9 = arith.constant 80 : i32
    %barrier3A_10 = arith.constant 0 : index
    tpu.barrier barrier_id(%barrier3A_10)
    %mul3A_11 = arith.constant 640 : i32
    %mul3A_12 = arith.muli %arg1, %mul3A_11 : i32
    %mul3A_13 = arith.constant 640 : i32
    %mul3A_14 = arith.muli %arg1, %mul3A_13 : i32
    "tpu.region"() ({
      %run_scoped3A = tpu.sem_alloc : memref<!tpu.dma_semaphore, #tpu.memory_space<semaphore_mem>>
      %dma_start3A = arith.constant 0 : i32
      %dma_start3A_15 = tpu.memref_slice %arg5[%arg0, %mul3A_14, %dma_start3A] : memref<2x10240x128xf32, #tpu.memory_space<hbm>> -> memref<1x640x128xf32, #tpu.memory_space<hbm>>
      %dma_start3A_16 = tpu.memref_squeeze %dma_start3A_15 : memref<1x640x128xf32, #tpu.memory_space<hbm>> -> memref<640x128xf32, #tpu.memory_space<hbm>>
      %dma_start3A_17 = arith.constant 0 : i32
      %dma_start3A_18 = tpu.memref_slice %arg8[%mul3A_12, %dma_start3A_17] : memref<10240x128xf32, #tpu.memory_space<vmem_shared>> -> memref<640x128xf32, #tpu.memory_space<vmem_shared>>
      tpu.enqueue_dma source(%dma_start3A_18 : memref<640x128xf32, #tpu.memory_space<vmem_shared>>) target(%dma_start3A_16 : memref<640x128xf32, #tpu.memory_space<hbm>>) target_semaphore(%run_scoped3A : memref<!tpu.dma_semaphore, #tpu.memory_space<semaphore_mem>>)
      %dma_wait3A = arith.constant 0 : i32
      %dma_wait3A_19 = tpu.memref_slice %arg5[%arg0, %mul3A_14, %dma_wait3A] : memref<2x10240x128xf32, #tpu.memory_space<hbm>> -> memref<1x640x128xf32, #tpu.memory_space<hbm>>
      %dma_wait3A_20 = tpu.memref_squeeze %dma_wait3A_19 : memref<1x640x128xf32, #tpu.memory_space<hbm>> -> memref<640x128xf32, #tpu.memory_space<hbm>>
      %dma_wait3A_21 = arith.constant 0 : i32
      %dma_wait3A_22 = tpu.memref_slice %arg8[%mul3A_12, %dma_wait3A_21] : memref<10240x128xf32, #tpu.memory_space<vmem_shared>> -> memref<640x128xf32, #tpu.memory_space<vmem_shared>>
      tpu.wait_dma2 semaphore(%run_scoped3A : memref<!tpu.dma_semaphore, #tpu.memory_space<semaphore_mem>>) src(%dma_wait3A_22 : memref<640x128xf32, #tpu.memory_space<vmem_shared>>) dst(%dma_wait3A_20 : memref<640x128xf32, #tpu.memory_space<hbm>>)
      tpu.yield
    }) : () -> ()
    return
  }
}

#map = affine_map<(d0, d1) -> (0, 0)>
#map1 = affine_map<(d0, d1) -> (0)>
#map2 = affine_map<(d0, d1) -> (0, 0, 0)>
module attributes {stable_mosaic.version = 14 : i64} {
  func.func @_segsum_body(%arg0: i32, %arg1: i32, %arg2: memref<10000x128xf32, #tpu.memory_space<hbm>>, %arg3: memref<327680xi32, #tpu.memory_space<hbm>>, %arg4: memref<2560x128xi32, #tpu.memory_space<hbm>>, %arg5: memref<640x128xf32, #tpu.memory_space<hbm>>, %arg6: memref<2x10240x128xf32, #tpu.memory_space<hbm>>, %arg7: memref<10240xi32, #tpu.memory_space<vmem>>, %arg8: memref<80x128xi32, #tpu.memory_space<vmem>>, %arg9: memref<128x128xf32, #tpu.memory_space<vmem>>, %arg10: memref<10240x128xf32, #tpu.memory_space<vmem_shared>>, %arg11: memref<!tpu.dma_semaphore, #tpu.memory_space<semaphore_mem>>) attributes {dimension_semantics = [#tpu.dimension_semantics<core_parallel>, #tpu.dimension_semantics<subcore_parallel>], iteration_bounds = array<i64: 2, 16>, scalar_prefetch = 0 : i64, scratch_operands = 5 : i64, tpu.core_type = #tpu.core_type<sc_vector_subcore>, window_params = [{transform_indices = #map}, {transform_indices = #map1}, {transform_indices = #map}, {transform_indices = #map}, {transform_indices = #map2}]} {
    %mul3A = arith.constant 2 : i32
    %mul3A_0 = arith.muli %arg1, %mul3A : i32
    %add3A = arith.addi %mul3A_0, %arg0 : i32
    %mul3A_1 = arith.constant 10240 : i32
    %mul3A_2 = arith.muli %add3A, %mul3A_1 : i32
    "tpu.region"() ({
      %run_scoped3A = tpu.sem_alloc : memref<!tpu.dma_semaphore, #tpu.memory_space<semaphore_mem>>
      %dma_start3A = tpu.memref_slice %arg3[%mul3A_2] : memref<327680xi32, #tpu.memory_space<hbm>> -> memref<10240xi32, #tpu.memory_space<hbm>>
      %dma_start3A_17 = tpu.memref_slice %arg3[%mul3A_2] : memref<327680xi32, #tpu.memory_space<hbm>> -> memref<10240xi32, #tpu.memory_space<hbm>>
      tpu.enqueue_dma source(%dma_start3A_17 : memref<10240xi32, #tpu.memory_space<hbm>>) target(%arg7 : memref<10240xi32, #tpu.memory_space<vmem>>) target_semaphore(%run_scoped3A : memref<!tpu.dma_semaphore, #tpu.memory_space<semaphore_mem>>)
      %dma_wait3A = tpu.memref_slice %arg3[%mul3A_2] : memref<327680xi32, #tpu.memory_space<hbm>> -> memref<10240xi32, #tpu.memory_space<hbm>>
      %dma_wait3A_18 = tpu.memref_slice %arg3[%mul3A_2] : memref<327680xi32, #tpu.memory_space<hbm>> -> memref<10240xi32, #tpu.memory_space<hbm>>
      tpu.wait_dma2 semaphore(%run_scoped3A : memref<!tpu.dma_semaphore, #tpu.memory_space<semaphore_mem>>) src(%dma_wait3A_18 : memref<10240xi32, #tpu.memory_space<hbm>>) dst(%arg7 : memref<10240xi32, #tpu.memory_space<vmem>>)
      tpu.yield
    }) : () -> ()
    %mul3A_3 = arith.constant 80 : i32
    %mul3A_4 = arith.muli %add3A, %mul3A_3 : i32
    "tpu.region"() ({
      %run_scoped3A = tpu.sem_alloc : memref<!tpu.dma_semaphore, #tpu.memory_space<semaphore_mem>>
      %dma_start3A = arith.constant 0 : i32
      %dma_start3A_17 = tpu.memref_slice %arg4[%mul3A_4, %dma_start3A] : memref<2560x128xi32, #tpu.memory_space<hbm>> -> memref<80x128xi32, #tpu.memory_space<hbm>>
      %dma_start3A_18 = arith.constant 0 : i32
      %dma_start3A_19 = tpu.memref_slice %arg4[%mul3A_4, %dma_start3A_18] : memref<2560x128xi32, #tpu.memory_space<hbm>> -> memref<80x128xi32, #tpu.memory_space<hbm>>
      tpu.enqueue_dma source(%dma_start3A_19 : memref<80x128xi32, #tpu.memory_space<hbm>>) target(%arg8 : memref<80x128xi32, #tpu.memory_space<vmem>>) target_semaphore(%run_scoped3A : memref<!tpu.dma_semaphore, #tpu.memory_space<semaphore_mem>>)
      %dma_wait3A = arith.constant 0 : i32
      %dma_wait3A_20 = tpu.memref_slice %arg4[%mul3A_4, %dma_wait3A] : memref<2560x128xi32, #tpu.memory_space<hbm>> -> memref<80x128xi32, #tpu.memory_space<hbm>>
      %dma_wait3A_21 = arith.constant 0 : i32
      %dma_wait3A_22 = tpu.memref_slice %arg4[%mul3A_4, %dma_wait3A_21] : memref<2560x128xi32, #tpu.memory_space<hbm>> -> memref<80x128xi32, #tpu.memory_space<hbm>>
      tpu.wait_dma2 semaphore(%run_scoped3A : memref<!tpu.dma_semaphore, #tpu.memory_space<semaphore_mem>>) src(%dma_wait3A_22 : memref<80x128xi32, #tpu.memory_space<hbm>>) dst(%arg8 : memref<80x128xi32, #tpu.memory_space<vmem>>)
      tpu.yield
    }) : () -> ()
    %mul3A_5 = arith.constant 640 : i32
    %mul3A_6 = arith.muli %arg1, %mul3A_5 : i32
    "tpu.region"() ({
      %run_scoped3A = tpu.sem_alloc : memref<!tpu.dma_semaphore, #tpu.memory_space<semaphore_mem>>
      %dma_start3A = arith.constant 0 : i32
      %dma_start3A_17 = tpu.memref_slice %arg10[%mul3A_6, %dma_start3A] : memref<10240x128xf32, #tpu.memory_space<vmem_shared>> -> memref<640x128xf32, #tpu.memory_space<vmem_shared>>
      tpu.enqueue_dma source(%arg5 : memref<640x128xf32, #tpu.memory_space<hbm>>) target(%dma_start3A_17 : memref<640x128xf32, #tpu.memory_space<vmem_shared>>) target_semaphore(%run_scoped3A : memref<!tpu.dma_semaphore, #tpu.memory_space<semaphore_mem>>)
      %dma_wait3A = arith.constant 0 : i32
      %dma_wait3A_18 = tpu.memref_slice %arg10[%mul3A_6, %dma_wait3A] : memref<10240x128xf32, #tpu.memory_space<vmem_shared>> -> memref<640x128xf32, #tpu.memory_space<vmem_shared>>
      tpu.wait_dma2 semaphore(%run_scoped3A : memref<!tpu.dma_semaphore, #tpu.memory_space<semaphore_mem>>) src(%arg5 : memref<640x128xf32, #tpu.memory_space<hbm>>) dst(%dma_wait3A_18 : memref<640x128xf32, #tpu.memory_space<vmem_shared>>)
      tpu.yield
    }) : () -> ()
    %barrier3A = arith.constant 0 : index
    tpu.barrier barrier_id(%barrier3A)
    %scan3A = arith.constant 0 : i32
    %scan3A_7 = arith.constant 0 : i32
    %scan3A_8 = arith.constant 80 : i32
    %scan3A_9 = arith.addi %scan3A_7, %scan3A_8 : i32
    %scan3A_10 = arith.constant 1 : i32
    scf.for %scan3A_17 = %scan3A_7 to %scan3A_9 step %scan3A_10  : i32 {
      %mul3A_18 = arith.constant 128 : i32
      %mul3A_19 = arith.muli %scan3A_17, %mul3A_18 : i32
      %multiple_of3A = tpu.assume_multiple %mul3A_19, 8 : i32
      %dma_start3A = tpu.memref_slice %arg7[%multiple_of3A] : memref<10240xi32, #tpu.memory_space<vmem>> -> memref<128xi32, #tpu.memory_space<vmem>>
      %dma_start3A_20 = arith.constant 0 : i32
      %dma_start3A_21 = arith.constant 0 : i32
      %dma_start3A_22 = tpu.memref_slice %arg2[%dma_start3A_20, %dma_start3A_21] : memref<10000x128xf32, #tpu.memory_space<hbm>> -> memref<10000x128xf32, #tpu.memory_space<hbm>>
      tpu.enqueue_indirect_dma source(%dma_start3A_22 : memref<10000x128xf32, #tpu.memory_space<hbm>>) target(%arg9 : memref<128x128xf32, #tpu.memory_space<vmem>>) offsets(%dma_start3A : memref<128xi32, #tpu.memory_space<vmem>>) semaphore(%arg11 : memref<!tpu.dma_semaphore, #tpu.memory_space<semaphore_mem>>)
      %dma_wait3A = tpu.memref_slice %arg7[%multiple_of3A] : memref<10240xi32, #tpu.memory_space<vmem>> -> memref<128xi32, #tpu.memory_space<vmem>>
      %dma_wait3A_23 = arith.constant 0 : i32
      %dma_wait3A_24 = arith.constant 0 : i32
      %dma_wait3A_25 = tpu.memref_slice %arg2[%dma_wait3A_23, %dma_wait3A_24] : memref<10000x128xf32, #tpu.memory_space<hbm>> -> memref<10000x128xf32, #tpu.memory_space<hbm>>
      tpu.wait_indirect_dma semaphore(%arg11 : memref<!tpu.dma_semaphore, #tpu.memory_space<semaphore_mem>>) src(%dma_wait3A_25 : memref<10000x128xf32, #tpu.memory_space<hbm>>) dst(%arg9 : memref<128x128xf32, #tpu.memory_space<vmem>>)
      "tpu.region"() ({
        %run_scoped3A = tpu.sem_alloc : memref<!tpu.dma_semaphore, #tpu.memory_space<semaphore_mem>>
        %dma_start3A_26 = arith.constant 0 : i32
        %dma_start3A_27 = tpu.memref_slice %arg8[%scan3A_17, %dma_start3A_26] : memref<80x128xi32, #tpu.memory_space<vmem>> -> memref<1x128xi32, #tpu.memory_space<vmem>>
        %dma_start3A_28 = tpu.memref_squeeze %dma_start3A_27 : memref<1x128xi32, #tpu.memory_space<vmem>> -> memref<128xi32, #tpu.memory_space<vmem>>
        %dma_start3A_29 = arith.constant 0 : i32
        %dma_start3A_30 = arith.constant 0 : i32
        %dma_start3A_31 = tpu.memref_slice %arg10[%dma_start3A_29, %dma_start3A_30] : memref<10240x128xf32, #tpu.memory_space<vmem_shared>> -> memref<10240x128xf32, #tpu.memory_space<vmem_shared>>
        tpu.enqueue_indirect_dma source(%arg9 : memref<128x128xf32, #tpu.memory_space<vmem>>) target(%dma_start3A_31 : memref<10240x128xf32, #tpu.memory_space<vmem_shared>>) offsets(%dma_start3A_28 : memref<128xi32, #tpu.memory_space<vmem>>) semaphore(%run_scoped3A : memref<!tpu.dma_semaphore, #tpu.memory_space<semaphore_mem>>) {add = true}
        %dma_wait3A_32 = arith.constant 0 : i32
        %dma_wait3A_33 = tpu.memref_slice %arg8[%scan3A_17, %dma_wait3A_32] : memref<80x128xi32, #tpu.memory_space<vmem>> -> memref<1x128xi32, #tpu.memory_space<vmem>>
        %dma_wait3A_34 = tpu.memref_squeeze %dma_wait3A_33 : memref<1x128xi32, #tpu.memory_space<vmem>> -> memref<128xi32, #tpu.memory_space<vmem>>
        %dma_wait3A_35 = arith.constant 0 : i32
        %dma_wait3A_36 = arith.constant 0 : i32
        %dma_wait3A_37 = tpu.memref_slice %arg10[%dma_wait3A_35, %dma_wait3A_36] : memref<10240x128xf32, #tpu.memory_space<vmem_shared>> -> memref<10240x128xf32, #tpu.memory_space<vmem_shared>>
        tpu.wait_indirect_dma semaphore(%run_scoped3A : memref<!tpu.dma_semaphore, #tpu.memory_space<semaphore_mem>>) src(%arg9 : memref<128x128xf32, #tpu.memory_space<vmem>>) dst(%dma_wait3A_37 : memref<10240x128xf32, #tpu.memory_space<vmem_shared>>)
        tpu.yield
      }) : () -> ()
    }
    %scan3A_11 = arith.constant 80 : i32
    %barrier3A_12 = arith.constant 0 : index
    tpu.barrier barrier_id(%barrier3A_12)
    %mul3A_13 = arith.constant 640 : i32
    %mul3A_14 = arith.muli %arg1, %mul3A_13 : i32
    %mul3A_15 = arith.constant 640 : i32
    %mul3A_16 = arith.muli %arg1, %mul3A_15 : i32
    "tpu.region"() ({
      %run_scoped3A = tpu.sem_alloc : memref<!tpu.dma_semaphore, #tpu.memory_space<semaphore_mem>>
      %dma_start3A = arith.constant 0 : i32
      %dma_start3A_17 = tpu.memref_slice %arg6[%arg0, %mul3A_16, %dma_start3A] : memref<2x10240x128xf32, #tpu.memory_space<hbm>> -> memref<1x640x128xf32, #tpu.memory_space<hbm>>
      %dma_start3A_18 = tpu.memref_squeeze %dma_start3A_17 : memref<1x640x128xf32, #tpu.memory_space<hbm>> -> memref<640x128xf32, #tpu.memory_space<hbm>>
      %dma_start3A_19 = arith.constant 0 : i32
      %dma_start3A_20 = tpu.memref_slice %arg10[%mul3A_14, %dma_start3A_19] : memref<10240x128xf32, #tpu.memory_space<vmem_shared>> -> memref<640x128xf32, #tpu.memory_space<vmem_shared>>
      tpu.enqueue_dma source(%dma_start3A_20 : memref<640x128xf32, #tpu.memory_space<vmem_shared>>) target(%dma_start3A_18 : memref<640x128xf32, #tpu.memory_space<hbm>>) target_semaphore(%run_scoped3A : memref<!tpu.dma_semaphore, #tpu.memory_space<semaphore_mem>>)
      %dma_wait3A = arith.constant 0 : i32
      %dma_wait3A_21 = tpu.memref_slice %arg6[%arg0, %mul3A_16, %dma_wait3A] : memref<2x10240x128xf32, #tpu.memory_space<hbm>> -> memref<1x640x128xf32, #tpu.memory_space<hbm>>
      %dma_wait3A_22 = tpu.memref_squeeze %dma_wait3A_21 : memref<1x640x128xf32, #tpu.memory_space<hbm>> -> memref<640x128xf32, #tpu.memory_space<hbm>>
      %dma_wait3A_23 = arith.constant 0 : i32
      %dma_wait3A_24 = tpu.memref_slice %arg10[%mul3A_14, %dma_wait3A_23] : memref<10240x128xf32, #tpu.memory_space<vmem_shared>> -> memref<640x128xf32, #tpu.memory_space<vmem_shared>>
      tpu.wait_dma2 semaphore(%run_scoped3A : memref<!tpu.dma_semaphore, #tpu.memory_space<semaphore_mem>>) src(%dma_wait3A_24 : memref<640x128xf32, #tpu.memory_space<vmem_shared>>) dst(%dma_wait3A_22 : memref<640x128xf32, #tpu.memory_space<hbm>>)
      tpu.yield
    }) : () -> ()
    return
  }
}

module attributes {stable_mosaic.version = 14 : i64} {
  func.func @body(%arg0: i32, %arg1: memref<2x1000x128xf32, #tpu.memory_space<vmem>>, %arg2: memref<2x1000x128xf32, #tpu.memory_space<vmem>>, %arg3: memref<1000x128xf32, #tpu.memory_space<vmem>>, %arg4: memref<128x128xf32, #tpu.memory_space<vmem>>, %arg5: memref<1x128xf32, #tpu.memory_space<vmem>>, %arg6: memref<128x128xf32, #tpu.memory_space<vmem>>, %arg7: memref<64x128xf32, #tpu.memory_space<vmem>>, %arg8: memref<1x64xf32, #tpu.memory_space<vmem>>, %arg9: memref<1000x128xf32, #tpu.memory_space<vmem>>, %arg10: memref<1000x64xf32, #tpu.memory_space<vmem>>) attributes {dimension_semantics = [#tpu.dimension_semantics<arbitrary>], iteration_bounds = array<i64: 10>, scalar_prefetch = 0 : i64, scratch_operands = 0 : i64, tpu.core_type = #tpu.core_type<tc>, window_params = [{transform_indices = @transform_0, window_bounds = array<i64: 2, 1000, 128>}, {transform_indices = @transform_1, window_bounds = array<i64: 2, 1000, 128>}, {transform_indices = @transform_2, window_bounds = array<i64: 1000, 128>}, {pipeline_mode = #tpu.pipeline_mode<synchronous>, transform_indices = @transform_3, window_bounds = array<i64: 128, 128>}, {pipeline_mode = #tpu.pipeline_mode<synchronous>, transform_indices = @transform_4, window_bounds = array<i64: 1, 128>}, {pipeline_mode = #tpu.pipeline_mode<synchronous>, transform_indices = @transform_5, window_bounds = array<i64: 128, 128>}, {pipeline_mode = #tpu.pipeline_mode<synchronous>, transform_indices = @transform_6, window_bounds = array<i64: 64, 128>}, {pipeline_mode = #tpu.pipeline_mode<synchronous>, transform_indices = @transform_7, window_bounds = array<i64: 1, 64>}, {transform_indices = @transform_8, window_bounds = array<i64: 1000, 128>}, {transform_indices = @transform_9, window_bounds = array<i64: 1000, 64>}]} {
    %get3A = arith.constant 0 : index
    %get3A_0 = arith.constant 0 : index
    %get3A_1 = arith.constant 0 : index
    %get3A_2 = vector.load %arg1[%get3A, %get3A_0, %get3A_1] : memref<2x1000x128xf32, #tpu.memory_space<vmem>>, vector<1x1000x128xf32>
    %get3A_3 = vector.shape_cast %get3A_2 : vector<1x1000x128xf32> to vector<1000x128xf32>
    %get3A_4 = arith.constant 1 : index
    %get3A_5 = arith.constant 0 : index
    %get3A_6 = arith.constant 0 : index
    %get3A_7 = vector.load %arg1[%get3A_4, %get3A_5, %get3A_6] : memref<2x1000x128xf32, #tpu.memory_space<vmem>>, vector<1x1000x128xf32>
    %get3A_8 = vector.shape_cast %get3A_7 : vector<1x1000x128xf32> to vector<1000x128xf32>
    %add3A = arith.addf %get3A_3, %get3A_8 : vector<1000x128xf32>
    %get3A_9 = arith.constant 0 : index
    %get3A_10 = arith.constant 0 : index
    %get3A_11 = arith.constant 0 : index
    %get3A_12 = vector.load %arg2[%get3A_9, %get3A_10, %get3A_11] : memref<2x1000x128xf32, #tpu.memory_space<vmem>>, vector<1x1000x128xf32>
    %get3A_13 = vector.shape_cast %get3A_12 : vector<1x1000x128xf32> to vector<1000x128xf32>
    %slice3A = vector.extract_strided_slice %get3A_13 {offsets = [0, 0], sizes = [1000, 1], strides = [1, 1]} : vector<1000x128xf32> to vector<1000x1xf32>
    %get3A_14 = arith.constant 1 : index
    %get3A_15 = arith.constant 0 : index
    %get3A_16 = arith.constant 0 : index
    %get3A_17 = vector.load %arg2[%get3A_14, %get3A_15, %get3A_16] : memref<2x1000x128xf32, #tpu.memory_space<vmem>>, vector<1x1000x128xf32>
    %get3A_18 = vector.shape_cast %get3A_17 : vector<1x1000x128xf32> to vector<1000x128xf32>
    %slice3A_19 = vector.extract_strided_slice %get3A_18 {offsets = [0, 0], sizes = [1000, 1], strides = [1, 1]} : vector<1000x128xf32> to vector<1000x1xf32>
    %add3A_20 = arith.addf %slice3A, %slice3A_19 : vector<1000x1xf32>
    %max3A = arith.constant 1.000000e+00 : f32
    %max3A_21 = vector.broadcast %max3A : f32 to vector<1000x1xf32>
    %max3A_22 = arith.maximumf %add3A_20, %max3A_21 : vector<1000x1xf32>
    %div3A = vector.broadcast %max3A_22 : vector<1000x1xf32> to vector<1000x128xf32>
    %div3A_23 = arith.divf %add3A, %div3A : vector<1000x128xf32>
    %get3A_24 = arith.constant 0 : index
    %get3A_25 = arith.constant 0 : index
    %get3A_26 = vector.load %arg4[%get3A_24, %get3A_25] : memref<128x128xf32, #tpu.memory_space<vmem>>, vector<128x128xf32>
    %dot_general3A = arith.constant dense<0.000000e+00> : vector<1000x128xf32>
    %dot_general3A_27 = tpu.matmul %div3A_23, %get3A_26, %dot_general3A {dimension_numbers = #tpu.dot_dimension_numbers<[1], [1], [0], [0], [0, 0, 1, 0], [], []>, transpose_lhs_hint = false} : vector<1000x128xf32>, vector<128x128xf32>, vector<1000x128xf32> -> vector<1000x128xf32>
    %get3A_28 = arith.constant 0 : index
    %get3A_29 = arith.constant 0 : index
    %get3A_30 = vector.load %arg5[%get3A_28, %get3A_29] : memref<1x128xf32, #tpu.memory_space<vmem>>, vector<1x128xf32>
    %add3A_31 = vector.broadcast %get3A_30 : vector<1x128xf32> to vector<1000x128xf32>
    %add3A_32 = arith.addf %dot_general3A_27, %add3A_31 : vector<1000x128xf32>
    %get3A_33 = arith.constant 0 : index
    %get3A_34 = arith.constant 0 : index
    %get3A_35 = vector.load %arg3[%get3A_33, %get3A_34] : memref<1000x128xf32, #tpu.memory_space<vmem>>, vector<1000x128xf32>
    %get3A_36 = arith.constant 0 : index
    %get3A_37 = arith.constant 0 : index
    %get3A_38 = vector.load %arg6[%get3A_36, %get3A_37] : memref<128x128xf32, #tpu.memory_space<vmem>>, vector<128x128xf32>
    %dot_general3A_39 = arith.constant dense<0.000000e+00> : vector<1000x128xf32>
    %dot_general3A_40 = tpu.matmul %get3A_35, %get3A_38, %dot_general3A_39 {dimension_numbers = #tpu.dot_dimension_numbers<[1], [1], [0], [0], [0, 0, 1, 0], [], []>, transpose_lhs_hint = false} : vector<1000x128xf32>, vector<128x128xf32>, vector<1000x128xf32> -> vector<1000x128xf32>
    %add3A_41 = arith.addf %add3A_32, %dot_general3A_40 : vector<1000x128xf32>
    %max3A_42 = arith.constant 0.000000e+00 : f32
    %max3A_43 = vector.broadcast %max3A_42 : f32 to vector<1000x128xf32>
    %max3A_44 = arith.maximumf %add3A_41, %max3A_43 : vector<1000x128xf32>
    %swap3A = arith.constant 0 : index
    %swap3A_45 = arith.constant 0 : index
    %swap3A_46 = vector.load %arg9[%swap3A, %swap3A_45] : memref<1000x128xf32, #tpu.memory_space<vmem>>, vector<1000x128xf32>
    tpu.vector_store %arg9[%swap3A, %swap3A_45], %max3A_44 {strides = array<i32>} : memref<1000x128xf32, #tpu.memory_space<vmem>>, vector<1000x128xf32>,
    %get3A_47 = arith.constant 0 : index
    %get3A_48 = arith.constant 0 : index
    %get3A_49 = vector.load %arg7[%get3A_47, %get3A_48] : memref<64x128xf32, #tpu.memory_space<vmem>>, vector<64x128xf32>
    %dot_general3A_50 = arith.constant dense<0.000000e+00> : vector<1000x64xf32>
    %dot_general3A_51 = tpu.matmul %max3A_44, %get3A_49, %dot_general3A_50 {dimension_numbers = #tpu.dot_dimension_numbers<[1], [1], [0], [0], [0, 0, 1, 0], [], []>, transpose_lhs_hint = false} : vector<1000x128xf32>, vector<64x128xf32>, vector<1000x64xf32> -> vector<1000x64xf32>
    %get3A_52 = arith.constant 0 : index
    %get3A_53 = arith.constant 0 : index
    %get3A_54 = vector.load %arg8[%get3A_52, %get3A_53] : memref<1x64xf32, #tpu.memory_space<vmem>>, vector<1x64xf32>
    %add3A_55 = vector.broadcast %get3A_54 : vector<1x64xf32> to vector<1000x64xf32>
    %add3A_56 = arith.addf %dot_general3A_51, %add3A_55 : vector<1000x64xf32>
    %swap3A_57 = arith.constant 0 : index
    %swap3A_58 = arith.constant 0 : index
    %swap3A_59 = vector.load %arg10[%swap3A_57, %swap3A_58] : memref<1000x64xf32, #tpu.memory_space<vmem>>, vector<1000x64xf32>
    tpu.vector_store %arg10[%swap3A_57, %swap3A_58], %add3A_56 {strides = array<i32>} : memref<1000x64xf32, #tpu.memory_space<vmem>>, vector<1000x64xf32>,
    return
  }
  func.func @transform_0(%arg0: i32) -> (i32, i32, i32) {
    %c0_i32 = arith.constant 0 : i32
    %c0_i32_0 = arith.constant 0 : i32
    %c0_i32_1 = arith.constant 0 : i32
    return %c0_i32, %arg0, %c0_i32_0 : i32, i32, i32
  }
  func.func @transform_1(%arg0: i32) -> (i32, i32, i32) {
    %c0_i32 = arith.constant 0 : i32
    %c0_i32_0 = arith.constant 0 : i32
    %c0_i32_1 = arith.constant 0 : i32
    return %c0_i32, %arg0, %c0_i32_0 : i32, i32, i32
  }
  func.func @transform_2(%arg0: i32) -> (i32, i32) {
    %c0_i32 = arith.constant 0 : i32
    %c0_i32_0 = arith.constant 0 : i32
    return %arg0, %c0_i32 : i32, i32
  }
  func.func @transform_3(%arg0: i32) -> (i32, i32) {
    %c0_i32 = arith.constant 0 : i32
    %c0_i32_0 = arith.constant 0 : i32
    %c0_i32_1 = arith.constant 0 : i32
    return %c0_i32, %c0_i32_0 : i32, i32
  }
  func.func @transform_4(%arg0: i32) -> (i32, i32) {
    %c0_i32 = arith.constant 0 : i32
    %c0_i32_0 = arith.constant 0 : i32
    %c0_i32_1 = arith.constant 0 : i32
    return %c0_i32, %c0_i32_0 : i32, i32
  }
  func.func @transform_5(%arg0: i32) -> (i32, i32) {
    %c0_i32 = arith.constant 0 : i32
    %c0_i32_0 = arith.constant 0 : i32
    %c0_i32_1 = arith.constant 0 : i32
    return %c0_i32, %c0_i32_0 : i32, i32
  }
  func.func @transform_6(%arg0: i32) -> (i32, i32) {
    %c0_i32 = arith.constant 0 : i32
    %c0_i32_0 = arith.constant 0 : i32
    %c0_i32_1 = arith.constant 0 : i32
    return %c0_i32, %c0_i32_0 : i32, i32
  }
  func.func @transform_7(%arg0: i32) -> (i32, i32) {
    %c0_i32 = arith.constant 0 : i32
    %c0_i32_0 = arith.constant 0 : i32
    %c0_i32_1 = arith.constant 0 : i32
    return %c0_i32, %c0_i32_0 : i32, i32
  }
  func.func @transform_8(%arg0: i32) -> (i32, i32) {
    %c0_i32 = arith.constant 0 : i32
    %c0_i32_0 = arith.constant 0 : i32
    return %arg0, %c0_i32 : i32, i32
  }
  func.func @transform_9(%arg0: i32) -> (i32, i32) {
    %c0_i32 = arith.constant 0 : i32
    %c0_i32_0 = arith.constant 0 : i32
    return %arg0, %c0_i32 : i32, i32
  }
}

module attributes {stable_mosaic.version = 14 : i64} {
  func.func @body(%arg0: i32, %arg1: memref<2x1000x128xf32, #tpu.memory_space<vmem>>, %arg2: memref<2x1000x128xf32, #tpu.memory_space<vmem>>, %arg3: memref<1000x128xf32, #tpu.memory_space<vmem>>, %arg4: memref<128x128xf32, #tpu.memory_space<vmem>>, %arg5: memref<1x128xf32, #tpu.memory_space<vmem>>, %arg6: memref<128x128xf32, #tpu.memory_space<vmem>>, %arg7: memref<1000x128xf32, #tpu.memory_space<vmem>>) attributes {dimension_semantics = [#tpu.dimension_semantics<arbitrary>], iteration_bounds = array<i64: 10>, scalar_prefetch = 0 : i64, scratch_operands = 0 : i64, tpu.core_type = #tpu.core_type<tc>, window_params = [{transform_indices = @transform_0, window_bounds = array<i64: 2, 1000, 128>}, {transform_indices = @transform_1, window_bounds = array<i64: 2, 1000, 128>}, {transform_indices = @transform_2, window_bounds = array<i64: 1000, 128>}, {pipeline_mode = #tpu.pipeline_mode<synchronous>, transform_indices = @transform_3, window_bounds = array<i64: 128, 128>}, {pipeline_mode = #tpu.pipeline_mode<synchronous>, transform_indices = @transform_4, window_bounds = array<i64: 1, 128>}, {pipeline_mode = #tpu.pipeline_mode<synchronous>, transform_indices = @transform_5, window_bounds = array<i64: 128, 128>}, {transform_indices = @transform_6, window_bounds = array<i64: 1000, 128>}]} {
    %get3A = arith.constant 0 : index
    %get3A_0 = arith.constant 0 : index
    %get3A_1 = arith.constant 0 : index
    %get3A_2 = vector.load %arg1[%get3A, %get3A_0, %get3A_1] : memref<2x1000x128xf32, #tpu.memory_space<vmem>>, vector<1x1000x128xf32>
    %get3A_3 = vector.shape_cast %get3A_2 : vector<1x1000x128xf32> to vector<1000x128xf32>
    %get3A_4 = arith.constant 1 : index
    %get3A_5 = arith.constant 0 : index
    %get3A_6 = arith.constant 0 : index
    %get3A_7 = vector.load %arg1[%get3A_4, %get3A_5, %get3A_6] : memref<2x1000x128xf32, #tpu.memory_space<vmem>>, vector<1x1000x128xf32>
    %get3A_8 = vector.shape_cast %get3A_7 : vector<1x1000x128xf32> to vector<1000x128xf32>
    %add3A = arith.addf %get3A_3, %get3A_8 : vector<1000x128xf32>
    %get3A_9 = arith.constant 0 : index
    %get3A_10 = arith.constant 0 : index
    %get3A_11 = arith.constant 0 : index
    %get3A_12 = vector.load %arg2[%get3A_9, %get3A_10, %get3A_11] : memref<2x1000x128xf32, #tpu.memory_space<vmem>>, vector<1x1000x128xf32>
    %get3A_13 = vector.shape_cast %get3A_12 : vector<1x1000x128xf32> to vector<1000x128xf32>
    %slice3A = vector.extract_strided_slice %get3A_13 {offsets = [0, 0], sizes = [1000, 1], strides = [1, 1]} : vector<1000x128xf32> to vector<1000x1xf32>
    %get3A_14 = arith.constant 1 : index
    %get3A_15 = arith.constant 0 : index
    %get3A_16 = arith.constant 0 : index
    %get3A_17 = vector.load %arg2[%get3A_14, %get3A_15, %get3A_16] : memref<2x1000x128xf32, #tpu.memory_space<vmem>>, vector<1x1000x128xf32>
    %get3A_18 = vector.shape_cast %get3A_17 : vector<1x1000x128xf32> to vector<1000x128xf32>
    %slice3A_19 = vector.extract_strided_slice %get3A_18 {offsets = [0, 0], sizes = [1000, 1], strides = [1, 1]} : vector<1000x128xf32> to vector<1000x1xf32>
    %add3A_20 = arith.addf %slice3A, %slice3A_19 : vector<1000x1xf32>
    %max3A = arith.constant 1.000000e+00 : f32
    %max3A_21 = vector.broadcast %max3A : f32 to vector<1000x1xf32>
    %max3A_22 = arith.maximumf %add3A_20, %max3A_21 : vector<1000x1xf32>
    %div3A = vector.broadcast %max3A_22 : vector<1000x1xf32> to vector<1000x128xf32>
    %div3A_23 = arith.divf %add3A, %div3A : vector<1000x128xf32>
    %get3A_24 = arith.constant 0 : index
    %get3A_25 = arith.constant 0 : index
    %get3A_26 = vector.load %arg4[%get3A_24, %get3A_25] : memref<128x128xf32, #tpu.memory_space<vmem>>, vector<128x128xf32>
    %dot_general3A = arith.constant dense<0.000000e+00> : vector<1000x128xf32>
    %dot_general3A_27 = tpu.matmul %div3A_23, %get3A_26, %dot_general3A {dimension_numbers = #tpu.dot_dimension_numbers<[1], [1], [0], [0], [0, 0, 1, 0], [], []>, transpose_lhs_hint = false} : vector<1000x128xf32>, vector<128x128xf32>, vector<1000x128xf32> -> vector<1000x128xf32>
    %get3A_28 = arith.constant 0 : index
    %get3A_29 = arith.constant 0 : index
    %get3A_30 = vector.load %arg5[%get3A_28, %get3A_29] : memref<1x128xf32, #tpu.memory_space<vmem>>, vector<1x128xf32>
    %add3A_31 = vector.broadcast %get3A_30 : vector<1x128xf32> to vector<1000x128xf32>
    %add3A_32 = arith.addf %dot_general3A_27, %add3A_31 : vector<1000x128xf32>
    %get3A_33 = arith.constant 0 : index
    %get3A_34 = arith.constant 0 : index
    %get3A_35 = vector.load %arg3[%get3A_33, %get3A_34] : memref<1000x128xf32, #tpu.memory_space<vmem>>, vector<1000x128xf32>
    %get3A_36 = arith.constant 0 : index
    %get3A_37 = arith.constant 0 : index
    %get3A_38 = vector.load %arg6[%get3A_36, %get3A_37] : memref<128x128xf32, #tpu.memory_space<vmem>>, vector<128x128xf32>
    %dot_general3A_39 = arith.constant dense<0.000000e+00> : vector<1000x128xf32>
    %dot_general3A_40 = tpu.matmul %get3A_35, %get3A_38, %dot_general3A_39 {dimension_numbers = #tpu.dot_dimension_numbers<[1], [1], [0], [0], [0, 0, 1, 0], [], []>, transpose_lhs_hint = false} : vector<1000x128xf32>, vector<128x128xf32>, vector<1000x128xf32> -> vector<1000x128xf32>
    %add3A_41 = arith.addf %add3A_32, %dot_general3A_40 : vector<1000x128xf32>
    %max3A_42 = arith.constant 0.000000e+00 : f32
    %max3A_43 = vector.broadcast %max3A_42 : f32 to vector<1000x128xf32>
    %max3A_44 = arith.maximumf %add3A_41, %max3A_43 : vector<1000x128xf32>
    %swap3A = arith.constant 0 : index
    %swap3A_45 = arith.constant 0 : index
    %swap3A_46 = vector.load %arg7[%swap3A, %swap3A_45] : memref<1000x128xf32, #tpu.memory_space<vmem>>, vector<1000x128xf32>
    tpu.vector_store %arg7[%swap3A, %swap3A_45], %max3A_44 {strides = array<i32>} : memref<1000x128xf32, #tpu.memory_space<vmem>>, vector<1000x128xf32>,
    return
  }
  func.func @transform_0(%arg0: i32) -> (i32, i32, i32) {
    %c0_i32 = arith.constant 0 : i32
    %c0_i32_0 = arith.constant 0 : i32
    %c0_i32_1 = arith.constant 0 : i32
    return %c0_i32, %arg0, %c0_i32_0 : i32, i32, i32
  }
  func.func @transform_1(%arg0: i32) -> (i32, i32, i32) {
    %c0_i32 = arith.constant 0 : i32
    %c0_i32_0 = arith.constant 0 : i32
    %c0_i32_1 = arith.constant 0 : i32
    return %c0_i32, %arg0, %c0_i32_0 : i32, i32, i32
  }
  func.func @transform_2(%arg0: i32) -> (i32, i32) {
    %c0_i32 = arith.constant 0 : i32
    %c0_i32_0 = arith.constant 0 : i32
    return %arg0, %c0_i32 : i32, i32
  }
  func.func @transform_3(%arg0: i32) -> (i32, i32) {
    %c0_i32 = arith.constant 0 : i32
    %c0_i32_0 = arith.constant 0 : i32
    %c0_i32_1 = arith.constant 0 : i32
    return %c0_i32, %c0_i32_0 : i32, i32
  }
  func.func @transform_4(%arg0: i32) -> (i32, i32) {
    %c0_i32 = arith.constant 0 : i32
    %c0_i32_0 = arith.constant 0 : i32
    %c0_i32_1 = arith.constant 0 : i32
    return %c0_i32, %c0_i32_0 : i32, i32
  }
  func.func @transform_5(%arg0: i32) -> (i32, i32) {
    %c0_i32 = arith.constant 0 : i32
    %c0_i32_0 = arith.constant 0 : i32
    %c0_i32_1 = arith.constant 0 : i32
    return %c0_i32, %c0_i32_0 : i32, i32
  }
  func.func @transform_6(%arg0: i32) -> (i32, i32) {
    %c0_i32 = arith.constant 0 : i32
    %c0_i32_0 = arith.constant 0 : i32
    return %arg0, %c0_i32 : i32, i32
  }
}

module attributes {stable_mosaic.version = 14 : i64} {
  func.func @body(%arg0: i32, %arg1: memref<2x1000x128xf32, #tpu.memory_space<vmem>>, %arg2: memref<2x1000x128xf32, #tpu.memory_space<vmem>>, %arg3: memref<1000x128xf32, #tpu.memory_space<vmem>>, %arg4: memref<128x128xf32, #tpu.memory_space<vmem>>, %arg5: memref<1x128xf32, #tpu.memory_space<vmem>>, %arg6: memref<128x128xf32, #tpu.memory_space<vmem>>, %arg7: memref<64x128xf32, #tpu.memory_space<vmem>>, %arg8: memref<1x64xf32, #tpu.memory_space<vmem>>, %arg9: memref<1000x128xf32, #tpu.memory_space<vmem>>, %arg10: memref<1000x64xf32, #tpu.memory_space<vmem>>) attributes {dimension_semantics = [#tpu.dimension_semantics<arbitrary>], iteration_bounds = array<i64: 10>, scalar_prefetch = 0 : i64, scratch_operands = 0 : i64, tpu.core_type = #tpu.core_type<tc>, window_params = [{transform_indices = @transform_0, window_bounds = array<i64: 2, 1000, 128>}, {transform_indices = @transform_1, window_bounds = array<i64: 2, 1000, 128>}, {transform_indices = @transform_2, window_bounds = array<i64: 1000, 128>}, {pipeline_mode = #tpu.pipeline_mode<synchronous>, transform_indices = @transform_3, window_bounds = array<i64: 128, 128>}, {pipeline_mode = #tpu.pipeline_mode<synchronous>, transform_indices = @transform_4, window_bounds = array<i64: 1, 128>}, {pipeline_mode = #tpu.pipeline_mode<synchronous>, transform_indices = @transform_5, window_bounds = array<i64: 128, 128>}, {pipeline_mode = #tpu.pipeline_mode<synchronous>, transform_indices = @transform_6, window_bounds = array<i64: 64, 128>}, {pipeline_mode = #tpu.pipeline_mode<synchronous>, transform_indices = @transform_7, window_bounds = array<i64: 1, 64>}, {transform_indices = @transform_8, window_bounds = array<i64: 1000, 128>}, {transform_indices = @transform_9, window_bounds = array<i64: 1000, 64>}]} {
    %get3A = arith.constant 0 : index
    %get3A_0 = arith.constant 0 : index
    %get3A_1 = arith.constant 0 : index
    %get3A_2 = vector.load %arg1[%get3A, %get3A_0, %get3A_1] : memref<2x1000x128xf32, #tpu.memory_space<vmem>>, vector<1x1000x128xf32>
    %get3A_3 = vector.shape_cast %get3A_2 : vector<1x1000x128xf32> to vector<1000x128xf32>
    %get3A_4 = arith.constant 1 : index
    %get3A_5 = arith.constant 0 : index
    %get3A_6 = arith.constant 0 : index
    %get3A_7 = vector.load %arg1[%get3A_4, %get3A_5, %get3A_6] : memref<2x1000x128xf32, #tpu.memory_space<vmem>>, vector<1x1000x128xf32>
    %get3A_8 = vector.shape_cast %get3A_7 : vector<1x1000x128xf32> to vector<1000x128xf32>
    %add3A = arith.addf %get3A_3, %get3A_8 : vector<1000x128xf32>
    %get3A_9 = arith.constant 0 : index
    %get3A_10 = arith.constant 0 : index
    %get3A_11 = arith.constant 0 : index
    %get3A_12 = vector.load %arg2[%get3A_9, %get3A_10, %get3A_11] : memref<2x1000x128xf32, #tpu.memory_space<vmem>>, vector<1x1000x128xf32>
    %get3A_13 = vector.shape_cast %get3A_12 : vector<1x1000x128xf32> to vector<1000x128xf32>
    %slice3A = vector.extract_strided_slice %get3A_13 {offsets = [0, 0], sizes = [1000, 1], strides = [1, 1]} : vector<1000x128xf32> to vector<1000x1xf32>
    %get3A_14 = arith.constant 1 : index
    %get3A_15 = arith.constant 0 : index
    %get3A_16 = arith.constant 0 : index
    %get3A_17 = vector.load %arg2[%get3A_14, %get3A_15, %get3A_16] : memref<2x1000x128xf32, #tpu.memory_space<vmem>>, vector<1x1000x128xf32>
    %get3A_18 = vector.shape_cast %get3A_17 : vector<1x1000x128xf32> to vector<1000x128xf32>
    %slice3A_19 = vector.extract_strided_slice %get3A_18 {offsets = [0, 0], sizes = [1000, 1], strides = [1, 1]} : vector<1000x128xf32> to vector<1000x1xf32>
    %add3A_20 = arith.addf %slice3A, %slice3A_19 : vector<1000x1xf32>
    %max3A = arith.constant 1.000000e+00 : f32
    %max3A_21 = vector.broadcast %max3A : f32 to vector<1000x1xf32>
    %max3A_22 = arith.maximumf %add3A_20, %max3A_21 : vector<1000x1xf32>
    %div3A = vector.broadcast %max3A_22 : vector<1000x1xf32> to vector<1000x128xf32>
    %div3A_23 = arith.divf %add3A, %div3A : vector<1000x128xf32>
    %get3A_24 = arith.constant 0 : index
    %get3A_25 = arith.constant 0 : index
    %get3A_26 = vector.load %arg4[%get3A_24, %get3A_25] : memref<128x128xf32, #tpu.memory_space<vmem>>, vector<128x128xf32>
    %dot_general3A = arith.constant dense<0.000000e+00> : vector<1000x128xf32>
    %dot_general3A_27 = tpu.matmul %div3A_23, %get3A_26, %dot_general3A {dimension_numbers = #tpu.dot_dimension_numbers<[1], [1], [0], [0], [0, 0, 1, 0], [], []>, transpose_lhs_hint = false} : vector<1000x128xf32>, vector<128x128xf32>, vector<1000x128xf32> -> vector<1000x128xf32>
    %get3A_28 = arith.constant 0 : index
    %get3A_29 = arith.constant 0 : index
    %get3A_30 = vector.load %arg5[%get3A_28, %get3A_29] : memref<1x128xf32, #tpu.memory_space<vmem>>, vector<1x128xf32>
    %add3A_31 = vector.broadcast %get3A_30 : vector<1x128xf32> to vector<1000x128xf32>
    %add3A_32 = arith.addf %dot_general3A_27, %add3A_31 : vector<1000x128xf32>
    %get3A_33 = arith.constant 0 : index
    %get3A_34 = arith.constant 0 : index
    %get3A_35 = vector.load %arg3[%get3A_33, %get3A_34] : memref<1000x128xf32, #tpu.memory_space<vmem>>, vector<1000x128xf32>
    %get3A_36 = arith.constant 0 : index
    %get3A_37 = arith.constant 0 : index
    %get3A_38 = vector.load %arg6[%get3A_36, %get3A_37] : memref<128x128xf32, #tpu.memory_space<vmem>>, vector<128x128xf32>
    %dot_general3A_39 = arith.constant dense<0.000000e+00> : vector<1000x128xf32>
    %dot_general3A_40 = tpu.matmul %get3A_35, %get3A_38, %dot_general3A_39 {dimension_numbers = #tpu.dot_dimension_numbers<[1], [1], [0], [0], [0, 0, 1, 0], [], []>, transpose_lhs_hint = false} : vector<1000x128xf32>, vector<128x128xf32>, vector<1000x128xf32> -> vector<1000x128xf32>
    %add3A_41 = arith.addf %add3A_32, %dot_general3A_40 : vector<1000x128xf32>
    %max3A_42 = arith.constant 0.000000e+00 : f32
    %max3A_43 = vector.broadcast %max3A_42 : f32 to vector<1000x128xf32>
    %max3A_44 = arith.maximumf %add3A_41, %max3A_43 : vector<1000x128xf32>
    %swap3A = arith.constant 0 : index
    %swap3A_45 = arith.constant 0 : index
    %swap3A_46 = vector.load %arg9[%swap3A, %swap3A_45] : memref<1000x128xf32, #tpu.memory_space<vmem>>, vector<1000x128xf32>
    tpu.vector_store %arg9[%swap3A, %swap3A_45], %max3A_44 {strides = array<i32>} : memref<1000x128xf32, #tpu.memory_space<vmem>>, vector<1000x128xf32>,
    %get3A_47 = arith.constant 0 : index
    %get3A_48 = arith.constant 0 : index
    %get3A_49 = vector.load %arg7[%get3A_47, %get3A_48] : memref<64x128xf32, #tpu.memory_space<vmem>>, vector<64x128xf32>
    %dot_general3A_50 = arith.constant dense<0.000000e+00> : vector<1000x64xf32>
    %dot_general3A_51 = tpu.matmul %max3A_44, %get3A_49, %dot_general3A_50 {dimension_numbers = #tpu.dot_dimension_numbers<[1], [1], [0], [0], [0, 0, 1, 0], [], []>, transpose_lhs_hint = false} : vector<1000x128xf32>, vector<64x128xf32>, vector<1000x64xf32> -> vector<1000x64xf32>
    %get3A_52 = arith.constant 0 : index
    %get3A_53 = arith.constant 0 : index
    %get3A_54 = vector.load %arg8[%get3A_52, %get3A_53] : memref<1x64xf32, #tpu.memory_space<vmem>>, vector<1x64xf32>
    %add3A_55 = vector.broadcast %get3A_54 : vector<1x64xf32> to vector<1000x64xf32>
    %add3A_56 = arith.addf %dot_general3A_51, %add3A_55 : vector<1000x64xf32>
    %swap3A_57 = arith.constant 0 : index
    %swap3A_58 = arith.constant 0 : index
    %swap3A_59 = vector.load %arg10[%swap3A_57, %swap3A_58] : memref<1000x64xf32, #tpu.memory_space<vmem>>, vector<1000x64xf32>
    tpu.vector_store %arg10[%swap3A_57, %swap3A_58], %add3A_56 {strides = array<i32>} : memref<1000x64xf32, #tpu.memory_space<vmem>>, vector<1000x64xf32>,
    return
  }
  func.func @transform_0(%arg0: i32) -> (i32, i32, i32) {
    %c0_i32 = arith.constant 0 : i32
    %c0_i32_0 = arith.constant 0 : i32
    %c0_i32_1 = arith.constant 0 : i32
    return %c0_i32, %arg0, %c0_i32_0 : i32, i32, i32
  }
  func.func @transform_1(%arg0: i32) -> (i32, i32, i32) {
    %c0_i32 = arith.constant 0 : i32
    %c0_i32_0 = arith.constant 0 : i32
    %c0_i32_1 = arith.constant 0 : i32
    return %c0_i32, %arg0, %c0_i32_0 : i32, i32, i32
  }
  func.func @transform_2(%arg0: i32) -> (i32, i32) {
    %c0_i32 = arith.constant 0 : i32
    %c0_i32_0 = arith.constant 0 : i32
    return %arg0, %c0_i32 : i32, i32
  }
  func.func @transform_3(%arg0: i32) -> (i32, i32) {
    %c0_i32 = arith.constant 0 : i32
    %c0_i32_0 = arith.constant 0 : i32
    %c0_i32_1 = arith.constant 0 : i32
    return %c0_i32, %c0_i32_0 : i32, i32
  }
  func.func @transform_4(%arg0: i32) -> (i32, i32) {
    %c0_i32 = arith.constant 0 : i32
    %c0_i32_0 = arith.constant 0 : i32
    %c0_i32_1 = arith.constant 0 : i32
    return %c0_i32, %c0_i32_0 : i32, i32
  }
  func.func @transform_5(%arg0: i32) -> (i32, i32) {
    %c0_i32 = arith.constant 0 : i32
    %c0_i32_0 = arith.constant 0 : i32
    %c0_i32_1 = arith.constant 0 : i32
    return %c0_i32, %c0_i32_0 : i32, i32
  }
  func.func @transform_6(%arg0: i32) -> (i32, i32) {
    %c0_i32 = arith.constant 0 : i32
    %c0_i32_0 = arith.constant 0 : i32
    %c0_i32_1 = arith.constant 0 : i32
    return %c0_i32, %c0_i32_0 : i32, i32
  }
  func.func @transform_7(%arg0: i32) -> (i32, i32) {
    %c0_i32 = arith.constant 0 : i32
    %c0_i32_0 = arith.constant 0 : i32
    %c0_i32_1 = arith.constant 0 : i32
    return %c0_i32, %c0_i32_0 : i32, i32
  }
  func.func @transform_8(%arg0: i32) -> (i32, i32) {
    %c0_i32 = arith.constant 0 : i32
    %c0_i32_0 = arith.constant 0 : i32
    return %arg0, %c0_i32 : i32, i32
  }
  func.func @transform_9(%arg0: i32) -> (i32, i32) {
    %c0_i32 = arith.constant 0 : i32
    %c0_i32_0 = arith.constant 0 : i32
    return %arg0, %c0_i32 : i32, i32
  }
}

</mosaic_0001>

<sc_bundles>
// kernel: kernel.10.cloned.1.call-start
scs
__scs_entry_jumppad:
0x0: {  	(pc) =	sbr.rel $0x88, $3  }
0x1: {  	(tag) =	ssettag $0x0;
	lr =	simm.s32 $0x1  }
0x2: {  	[smem:$0x3F90] =	sst lr;
	_ =	strace $0xD0000000  }
0x3: {  	_ = 	snop  }
0x4: {  	_ = 	snop  }
0x5: {  	_ = 	snop  }
0x6: {  	_ = 	snop  }
0x7: {  	_ = 	snop  }
__scs_overlays_trampoline_lowered:
0x8: {  	[smem:$0x3F9F] =	sst s0  }
0x9: {  	[smem:$0x3FA0] =	sst s1  }
0xa: {  	[smem:$0x3FA1] =	sst s2  }
0xb: {  	[smem:$0x3FA2] =	sst s3  }
0xc: {  	[smem:$0x3FA3] =	sst s4  }
0xd: {  	[smem:$0x3FA4] =	sst s5  }
0xe: {  	[smem:$0x3FA5] =	sst s6  }
0xf: {  	[smem:$0x3FA6] =	sst s7  }
0x10: {  	[smem:$0x3FA7] =	sst s8  }
0x11: {  	[smem:$0x3FA8] =	sst s9;
	s0 =	simm.s32 @!p0 $0x0  }
0x12: {  	s1 =	sld [smem:$0x3F8E];
	s0 =	simm.s32 @p0 $0x1  }
0x13: {  	[smem:$0x3FA9] =	sst s0;
	s0 =	simm.s32 @!p1 $0x0  }
0x14: {  	s2 =	sld [smem:$0x3F8D];
	s0 =	simm.s32 @p1 $0x1  }
0x15: {  	[smem:$0x3FAA] =	sst s0;
	s0 =	simm.s32 @!p2 $0x0  }
0x16: {  	s3 =	sld [smem:$0x3FDB];
	s0 =	simm.s32 @p2 $0x1  }
0x17: {  	s4 =	simm.s32 $0x1BF5;
	[smem:$0x3FAC] =	sst s0  }
0x18: {  	s0 =	sld [smem:$0x3F8F];
	_ =	swait.ge [sflag:s4], $0x0  }
0x19: {  	s7 =	sld [smem:$0x3F90]  }
0x1a: {  	s8 =	sadd.s32 $0xFFFFE003, lr  }
0x1b: {  	s9 =	sadd.s32 $0xFFFFFEF7, lr;
	s5 =	simm.s32 $0xFFFFFFFF;
	p2 =	slt.u32 s8, $0xFFFFF086  }
0x1c: {  	p1 =	slt.u32 s9, $0xF7A;
	s5 =	simm.s32 @!p2 $0x0  }
0x1d: {  	s5 =	simm.s32 @p1 $0x1;
	p0 =	seq.s32 s7, s2  }
0x1e: {  	s7 =	smul.u32 @!p0 $0xF7A, s2;
	p2 =	seq.s32 @!p0 s5, $0x0  }
0x1f: {  	s9 =	smul.u32 $0xF7A, s1;
	s8 =	simm.s32 @!p0 $0x1BF5;
	p2 =	por !p2, p0  }
0x20: {  	[sflag:s8] =	ssyncset.s32 @!p0 $0xFFFFF086;
	s6 =	sadd.s32 @!p0 s3, s7;
	s7 =	simm.s32 @!p0 $0x108  }
0x21: {  	s3 =	sadd.s32 s3, s9;
	s6 =	sadd.s32 @!p0 $0x88, s6;
	s7 =	simm.s32 @p2 $0x1082  }
0x22: {  	[simem:s7], [sflag:s8] =	dma.local @!p0 [hbm:s6], $0xF7A  }
0x23: {  	s9 =	sor.u32 $0xD0000000, s2;
	s6 =	simm.s32 $0x108;
	_ =	swait.ge @!p0 [sflag:s8], $0x0  }
0x24: {  	s3 =	sadd.s32 $0x88, s3;
	s6 =	simm.s32 @!p1 $0x1082;
	[sflag:s4] =	ssyncset.s32 $0xFFFFF086  }
0x25: {  	[simem:s6], [sflag:s4] =	dma.local [hbm:s3], $0xF7A  }
0x26: {  	[smem:$0x3F90] =	sst s1;
	(tag) =	ssettag s2;
	_ =	strace s9  }
0x27: {  	s1 =	sld [smem:$0x3FA0]  }
0x28: {  	s2 =	sld [smem:$0x3FA1]  }
0x29: {  	s4 =	sld [smem:$0x3FA3]  }
0x2a: {  	p0 =	seq.s32 s5, $0x0;
	s5 =	sld [smem:$0x3FA4]  }
0x2b: {  	s6 =	sld [smem:$0x3FA5]  }
0x2c: {  	s7 =	sld [smem:$0x3FA6]  }
0x2d: {  	s3 =	simm.s32 $0x108;
	s8 =	sld [smem:$0x3FA7]  }
0x2e: {  	s3 =	simm.s32 @!p0 $0x1082;
	s9 =	sld [smem:$0x3FA8]  }
0x2f: {  	lr =	sadd.s32 s0, s3;
	s0 =	sld [smem:$0x3F9F]  }
0x30: {  	s3 =	sld [smem:$0x3FA2]  }
0x31: {  	[smem:$0x3FAB] =	sst s10  }
0x32: {  	s10 =	sld [smem:$0x3FA9];
	_ =	sdelay $0x3  }
0x33: {  	p0 =	seq.s32 s10, $0x1;
	s10 =	sld [smem:$0x3FAB];
	_ =	sdelay $0x3  }
0x34: {  	[smem:$0x3FAB] =	sst s10  }
0x35: {  	s10 =	sld [smem:$0x3FAA];
	_ =	sdelay $0x3  }
0x36: {  	p1 =	seq.s32 s10, $0x1;
	s10 =	sld [smem:$0x3FAB];
	_ =	sdelay $0x3  }
0x37: {  	[smem:$0x3FAB] =	sst s10  }
0x38: {  	s10 =	sld [smem:$0x3FAC]  }
0x39: {  	_ = 	snop;
	(pc) =	sbr.ind lr, $3  }
0x3a: {  	_ = 	snop  }
0x3b: {  	_ = 	snop  }
0x3c: {  	p2 =	seq.s32 s10, $0x1;
	s10 =	sld [smem:$0x3FAB]  }
0x3d: {  	_ =	shalt  }
0x3e: {  	_ =	shalt  }
0x3f: {  	_ =	shalt  }
0x40: {  	_ =	shalt  }
0x41: {  	_ =	shalt  }
0x42: {  	_ =	shalt  }
0x43: {  	_ =	shalt  }
0x44: {  	_ =	shalt  }
0x45: {  	_ =	shalt  }
0x46: {  	_ =	shalt  }
0x47: {  	_ =	shalt  }
0x48: {  	_ =	shalt  }
0x49: {  	_ =	shalt  }
0x4a: {  	_ =	shalt  }
0x4b: {  	_ =	shalt  }
0x4c: {  	_ =	shalt  }
0x4d: {  	_ =	shalt  }
0x4e: {  	_ =	shalt  }
0x4f: {  	_ =	shalt  }
0x50: {  	_ =	shalt  }
0x51: {  	_ =	shalt  }
0x52: {  	_ =	shalt  }
0x53: {  	_ =	shalt  }
0x54: {  	_ =	shalt  }
0x55: {  	_ =	shalt  }
0x56: {  	_ =	shalt  }
0x57: {  	_ =	shalt  }
0x58: {  	_ =	shalt  }
0x59: {  	_ =	shalt  }
0x5a: {  	_ =	shalt  }
0x5b: {  	_ =	shalt  }
0x5c: {  	_ =	shalt  }
0x5d: {  	_ =	shalt  }
0x5e: {  	_ =	shalt  }
0x5f: {  	_ =	shalt  }
0x60: {  	_ =	shalt  }
0x61: {  	_ =	shalt  }
0x62: {  	_ =	shalt  }
0x63: {  	_ =	shalt  }
0x64: {  	_ =	shalt  }
0x65: {  	_ =	shalt  }
0x66: {  	_ =	shalt  }
0x67: {  	_ =	shalt  }
0x68: {  	_ =	shalt  }
0x69: {  	_ =	shalt  }
0x6a: {  	_ =	shalt  }
0x6b: {  	_ =	shalt  }
0x6c: {  	_ =	shalt  }
0x6d: {  	_ =	shalt  }
0x6e: {  	_ =	shalt  }
0x6f: {  	_ =	shalt  }
0x70: {  	_ =	shalt  }
0x71: {  	_ =	shalt  }
0x72: {  	_ =	shalt  }
0x73: {  	_ =	shalt  }
0x74: {  	_ =	shalt  }
0x75: {  	_ =	shalt  }
0x76: {  	_ =	shalt  }
0x77: {  	_ =	shalt  }
0x78: {  	_ =	shalt  }
0x79: {  	_ =	shalt  }
0x7a: {  	_ =	shalt  }
0x7b: {  	_ =	shalt  }
0x7c: {  	_ =	shalt  }
0x7d: {  	_ =	shalt  }
0x7e: {  	_ =	shalt  }
0x7f: {  	_ =	shalt  }
0x80: {  	_ =	shalt  }
0x81: {  	_ =	shalt  }
0x82: {  	_ =	shalt  }
0x83: {  	_ =	shalt  }
0x84: {  	_ =	shalt  }
0x85: {  	_ =	shalt  }
0x86: {  	_ =	shalt  }
0x87: {  	_ =	shalt  }
.Lfunc_end0:
.L_simem_size_0:
called_computation_lowered:
.L_overlay_start_0:
0x88: {  	s2 =	sld [smem:$0x3FD9]  }
0x89: {  	s3 =	sld [smem:$0x3FFE];
	_ =	sdelay $0x1  }
0x8a: {  	s1 =	srdreg.scid  }
0x8b: {  	s0 =	sand.u32 $0x1, s1  }
0x8c: {  	s15 =	sshll.u32 s0, $0xA;
	s2 =	sadd.s32 s3, s2  }
0x8d: {  	s2 =	sadd.s32 s2, s15  }
0x8e: {  	[smem:$0x3FB7] =	sst s2  }
0x8f: {  	_ = 	snop  }
0x90: {  	s2 =	sld [smem:$0x3FD0];
	_ =	sdelay $0x2  }
0x91: {  	s16 =	simm.s32 $0xD;
	s4 =	simm.s32 $0x10  }
0x92: {  	[smem:s4], [sflag:s16] =	dma.local [hbm:s2], $0x1  }
0x93: {  	_ =	swait.eq [sflag:s16], $0x1  }
0x94: {  	[sflag:s16] =	ssyncset.done $0x0  }
0x95: {  	[sflag:s16] =	ssyncadd.s32 $0xFFFFFFFF  }
0x96: {  	s17 =	sld [smem:$0x10];
	(tm) =	ssettm $0x1  }
0x97: {  	s18 =	sld [smem:$0x3FFB];
	_ =	sdelay $0x3  }
0x98: {  	_ =	strace s18  }
0x99: {  	s2 =	sld [smem:$0x3FFC];
	_ =	sdelay $0x3  }
0x9a: {  	_ =	strace s2  }
0x9b: {  	s2 =	sld [smem:$0x3FFD];
	_ =	sdelay $0x3  }
0x9c: {  	_ =	strace s2  }
0x9d: {  	_ =	strace $0x8FFFFFFF  }
0x9e: {  	s19 =	sld [smem:$0x3FDB];
	_ =	sdelay $0x1  }
0x9f: {  	s20 =	simm.s32 $_scs_section_size  }
0xa0: {  	s5 =	simm.s32 $_size__tile_overlayer_lowered;
	s6 =	simm.s32 $_tile_overlayer_lowered  }
0xa1: {  	s7 =	simm.s32 $0x1BFF;
	s21 =	sshll.u32 s6, $0x1;
	s4 =	sadd.s32 s20, s19  }
0xa2: {  	s22 =	simm.s32 $0x0;
	s5 =	sshll.u32 s5, $0x1;
	s6 =	sadd.s32 s21, s4  }
0xa3: {  	[timem:s22], [sflag:s7] =	dma.local [hbm:s6], s5  }
0xa4: {  	_ =	swait.ge [sflag:s7], s5  }
0xa5: {  	s5 =	ssub.s32 $0x0, s5;
	[sflag:s7] =	ssyncset.done $0x0  }
0xa6: {  	[sflag:s7] =	ssyncadd.s32 s5;
	_ =	sdelay $0x1  }
0xa7: {  	s23 =	simm.s32 $0x1B8B  }
0xa8: {  	_ =	swait.ge [sflag:s23], $0x1  }
0xa9: {  	[sflag:s23] =	ssyncset.done $0x0  }
0xaa: {  	[sflag:s23] =	ssyncadd.s32 $0xFFFFFFFF  }
0xab: {  	s5 =	sld [smem:$0x0]  }
0xac: {  	s6 =	sand.u32 $0xFFFFFFFE, s1  }
0xad: {  	p0 =	sne.s32 s1, s6  }
0xae: {  	s6 =	sshll.u32 @p0 s6, $0xE  }
0xaf: {  	s6 =	sadd.s32 @p0 $0x11B8D, s6;
	s7 =	sshll.u32 @p0 s5, $0x11  }
0xb0: {  	s6 =	sor.u32 @p0 s7, s6  }
0xb1: {  	[sflag:s6] =	ssyncadd.remote.s32 @p0 $0x1;
	_ =	sdelay $0x1  }
0xb2: {  	s6 =	simm.s32 @p0 $0x1B8D  }
0xb3: {  	_ =	swait.eq @p0 [sflag:s6], $0x1  }
0xb4: {  	[sflag:s6] =	ssyncadd.s32 @p0 $0xFFFFFFFF  }
0xb5: {  	s7 =	sshll.u32 @!p0 s1, $0xE  }
0xb6: {  	s7 =	sor.u32 @!p0 $0x4000, s7;
	s6 =	simm.s32 @!p0 $0x1B8D  }
0xb7: {  	s5 =	sshll.u32 @!p0 s5, $0x11;
	s7 =	sadd.s32 @!p0 $0x11B8D, s7;
	_ =	swait.eq @!p0 [sflag:s6], $0x1  }
0xb8: {  	s5 =	sor.u32 @!p0 s5, s7;
	[sflag:s6] =	ssyncadd.s32 @!p0 $0xFFFFFFFF  }
0xb9: {  	s25 =	simm.s32 $0x1B8E;
	s24 =	sld [smem:$0x3FFE];
	[sflag:s5] =	ssyncadd.remote.s32 @!p0 $0x1  }
0xba: {  	s26 =	simm.s32 $execute0_lowered;
	[smem:$0x3FD2] =	sst s25  }
0xbb: {  	s6 =	sshll.u32 s26, $0x1;
	_ =	strace $0x8000004F;
	[dreg:$0x1] =	wrdreg $0xFFFFFFFF  }
0xbc: {  	s28 =	simm.s32 $_size_execute0_lowered;
	s4 =	sadd.s32 s4, s6;
	[dreg:$0x0] =	wrdreg $0x0  }
0xbd: {  	s6 =	sshll.u32 s28, $0x1;
	[dreg:$0x2] =	wrdreg s4  }
0xbe: {  	[dreg:$0x3] =	wrdreg s6  }
0xbf: {  	[dreg:$0x4] =	wrdreg $0xC0  }
0xc0: {  	_ =	task [dreg:s22], $0x5FFFF  }
0xc1: {  	[dreg:$0x1] =	wrdreg $0xFFFFFFFF  }
0xc2: {  	[dreg:$0x0] =	wrdreg $0x60  }
0xc3: {  	[dreg:$0x2] =	wrdreg s17  }
0xc4: {  	[dreg:$0x3] =	wrdreg s24  }
0xc5: {  	[dreg:$0x4] =	wrdreg $0x68000  }
0xc6: {  	[dreg:$0x5] =	wrdreg $0x9  }
0xc7: {  	_ =	task.clear_ibuf [dreg:s22], $0x6FFFF;
	_ =	strace $0x9000004F  }
0xc8: {  	s29 =	simm.s32 $0x9;
	_ =	strace $0x80000051  }
0xc9: {  	_ =	swait.ge [sflag:s29], $0x1  }
0xca: {  	[sflag:s29] =	ssyncadd.s32 $0xFFFFFFFF  }
0xcb: {  	_ =	strace $0x90000051  }
0xcc: {  	_ =	sfence  }
0xcd: {  	s30 =	sld [smem:$0x0];
	_ =	sdelay $0x2  }
0xce: {  	s31 =	sshll.u32 s1, $0xD;
	s1 =	sshrl.u32 s1, $0x2  }
0xcf: {  	s4 =	sand.u32 $0x4000, s31;
	s1 =	sadd.s32 s1, s30  }
0xd0: {  	s0 =	sor.u32 s4, s0;
	s1 =	sshll.u32 s1, $0x11  }
0xd1: {  	s0 =	sor.u32 s1, s0  }
0xd2: {  	s0 =	sadd.s32 $0x8F2B, s0  }
0xd3: {  	[sflag:s0] =	ssyncadd.remote.s32 $0x1  }
0xd4: {  	_ =	sfence.sel $0xFFFF  }
0xd5: {  	[dreg:$0x0] =	wrdreg $0xFFFFFFFF;
	(pc) =	sbr.abs _section_cstart, $3  }
0xd6: {  	[dreg:$0x1] =	wrdreg $0xFFFFFFFF  }
0xd7: {  	_ =	task.clear_ibuf [dreg:s22], $0x2FFFF;
	_ =	strace $0x9FFFFFFF  }
0xd8: {  	(tm) =	ssettm $0x7FFFFFFF  }
0xd9: {  	_ =	shalt  }
tec
execute0_lowered:
.L_overlay_start_1:
0x0: {  	(tag) =	ssettag $0x1  }
0x1: {  	s6 =	rddreg [dreg:$0x0]  }
0x2: {  	s7 =	rddreg [dreg:$0x1]  }
0x3: {  	s1 =	rddreg [dreg:$0x2]  }
0x4: {  	s0 =	rddreg [dreg:$0x3];
	s3 =	simm.s32 $0x0;
	s2 =	srdreg.scid  }
0x5: {  	s12 =	simm.s32 $0x2800;
	s13 =	simm.s32 $0x80;
	s14 =	simm.s32 $0x0  }
0x6: {  	[smem:$0x7FF] =	sst s3;
	s8 =	sand.u32 $0x1, s2;
	s2 =	stileid.u32  }
0x7: {  	s4 =	sadd.s32 $0xD400, s7;
	s5 =	sadd.s32 $0x5FC00, s7;
	s9 =	smul.u32 $0x140000, s8  }
0x8: {  	_ =	strace $0x80000050;
	s10 =	smul.u32 $0x14000, s2;
	s11 =	sshll.u32 s2, $0x1  }
0x9: {  	s29 =	smul.u32 $0x50000, s2;
	s31 =	sshll.u32 s2, $0x6;
	s28 =	sor.u32 s8, s11  }
0xa: {  	s8 =	ssub.s32 $0x2, s8;
	s9 =	sadd.s32 s10, s9;
	s10 =	smul.u32 $0x500, s28  }
0xb: {  	s30 =	sshrl.u32 s8, $0x1;
	s11 =	sshrl.u32 s29, $0x2;
	s9 =	sshrl.u32 s9, $0x3  }
0xc: {  	s8 =	ssub.s32 s8, s30;
	s11 =	sadd.s32 s11, s1;
	s7 =	sadd.s32 s9, s7  }
0xd: {  	s6 =	sadd.s32 s6, s10;
	s8 =	smax.u32 s8, $0x1;
	s9 =	simm.s32 $0x1  }
0xe: {  	s10 =	sor.u32 $0x1C01, s31;
	s11 =	sshrl.u32 s11, $0x3;
	s7 =	sadd.s32 $0x10A400, s7  }
.LBB2_1:
0xf: {  	[tilespmem:s3], [sflag:$0x1] =	stream.linear.gather [hbm4b:s6+s3], $0x2800, $0x38;
	[tilespmem:$0x1A800] =	vst v63  }
0x10: {  	_ =	swait.ge [sflag:s9], $0x2800  }
0x11: {  	[sflag:s9] =	ssyncset.done $0x0  }
0x12: {  	[sflag:s9] =	ssyncadd.s32 $0xFFFFD800  }
0x13: {  	[spmem:s11], [sflag:s10] =	dma.local [hbm:s4], $0x2800  }
0x14: {  	_ =	swait.ge [sflag:s9], $0x2800  }
0x15: {  	[sflag:s9] =	ssyncset.done $0x0  }
0x16: {  	[sflag:s9] =	ssyncadd.s32 $0xFFFFD800  }
0x17: {  	[tilespmem:s12], [sflag:$0x1] =	stream.linear.gather [hbm4b:s5+s3], $0x4000, $0x38;
	[tilespmem:$0x1A800] =	vst v63  }
0x18: {  	_ =	swait.ge [sflag:s9], $0x4000  }
0x19: {  	[sflag:s9] =	ssyncset.done $0x0  }
0x1a: {  	[sflag:s9] =	ssyncadd.s32 $0xFFFFC000  }
0x1b: {  	s15 =	simm.s32 $0x0;
	[bflag:$0x0] =	sbarrier.arrive $0xFFFF  }
0x1c: {  	[spmem:s1] =	stream.indirect.scatter.add.f32 [tilespmem:s12], [sflag:$0x1], $0x80, s15, s13, $0xb8;
	[tilespmem:$0x1A800] =	vst v63  }
0x1d: {  	_ =	swait.ge [sflag:s9], $0x4000  }
0x1e: {  	s15 =	simm.s32 $0x200;
	[sflag:s9] =	ssyncset.done $0x0  }
.LBB2_2:
0x1f: {  	s16 =	sshra.s32 s15, $0x2;
	[sflag:s9] =	ssyncadd.s32 $0xFFFFC000;
	p0 =	sne.s32 s15, $0x9E00  }
0x20: {  	[spmem:s1] =	stream.indirect.scatter.add.f32 [tilespmem:s12], [sflag:$0x1], $0x80, s16, s13, $0xb8;
	[tilespmem:$0x1A800] =	vst v63  }
.Ltmp0:
0x21: {  	_ = 	snop;
	(pc) =	sbr.rel @p0 .LBB2_2-.Ltmp0, $4  }
0x22: {  	_ = 	snop  }
0x23: {  	s15 =	sadd.s32 $0x200, s15  }
0x24: {  	_ =	swait.ge [sflag:s9], $0x4000  }
0x25: {  	[sflag:s9] =	ssyncset.done $0x0  }
0x26: {  	s14 =	sadd.s32 $0x1, s14  }
0x27: {  	[sflag:s9] =	ssyncadd.s32 $0xFFFFC000;
	p0 =	sne.s32 s14, s8  }
.Ltmp1:
0x28: {  	[bflag:$0x0] =	sbarrier.arrive $0xFFFF;
	(pc) =	sbr.rel @p0 .LBB2_1-.Ltmp1, $4  }
0x29: {  	[hbm:s7], [sflag:s10] =	dma.local [spmem:s11], $0x2800  }
0x2a: {  	_ =	swait.ge [sflag:s9], $0x2800  }
0x2b: {  	[sflag:s9] =	ssyncset.done $0x0  }
0x2c: {  	[sflag:s9] =	ssyncadd.s32 $0xFFFFD800  }
0x2d: {  	_ =	sfence.sel $0x180000  }
0x2e: {  	[bflag:$0x0] =	sbarrier.arrive $0xFFFF  }
0x2f: {  	p0 =	sne.s32 s2, $0x0;
	_ =	strace $0x90000050  }
0x30: {  	s0 =	sadd.s32 @!p0 $0x100000, s0;
	[bflag:$0x2] =	sbarrier.arrive $0xFFFF  }
0x31: {  	[sflag:s0] =	ssyncadd.tile.s32 @!p0 $0x1;
	_ =	shalt  }
.Lfunc_end2:
_tile_overlayer_lowered:
.L_overlay_start_2:
0x32: {  	(tag) =	ssettag $0x2  }
0x33: {  	s0 =	rddreg [dreg:$0x0];
	s2 =	stileid.u32  }
0x34: {  	s1 =	rddreg [dreg:$0x1];
	p0 =	sne.s32 s2, $0x0  }
0x35: {  	s3 =	rddreg [dreg:$0x2];
	[bflag:$0x3] =	sbarrier.arrive $0xFFFF;
	s2 =	simm.s32 @!p0 $0x1C01  }
0x36: {  	[timem:s3], [sflag:s2] =	dma.local @!p0 [hbm:s0], s1  }
0x37: {  	s0 =	simm.s32 @!p0 $0x1  }
0x38: {  	_ =	swait.ge @!p0 [sflag:s0], s1  }
0x39: {  	s1 =	ssub.s32 @!p0 $0x0, s1;
	[sflag:s0] =	ssyncset.done @!p0 $0x0  }
0x3a: {  	[sflag:s0] =	ssyncadd.s32 @!p0 s1  }
0x3b: {  	[bflag:$0x3] =	sbarrier.arrive $0xFFFF  }
0x3c: {  	_ =	shalt  }

// kernel: kernel.13.cloned.1.call-start
scs
__scs_entry_jumppad:
0x0: {  	(pc) =	sbr.rel $0x88, $3  }
0x1: {  	(tag) =	ssettag $0x0;
	lr =	simm.s32 $0x1  }
0x2: {  	[smem:$0x3F90] =	sst lr;
	_ =	strace $0xD0000000  }
0x3: {  	_ = 	snop  }
0x4: {  	_ = 	snop  }
0x5: {  	_ = 	snop  }
0x6: {  	_ = 	snop  }
0x7: {  	_ = 	snop  }
__scs_overlays_trampoline_lowered:
0x8: {  	[smem:$0x3F9F] =	sst s0  }
0x9: {  	[smem:$0x3FA0] =	sst s1  }
0xa: {  	[smem:$0x3FA1] =	sst s2  }
0xb: {  	[smem:$0x3FA2] =	sst s3  }
0xc: {  	[smem:$0x3FA3] =	sst s4  }
0xd: {  	[smem:$0x3FA4] =	sst s5  }
0xe: {  	[smem:$0x3FA5] =	sst s6  }
0xf: {  	[smem:$0x3FA6] =	sst s7  }
0x10: {  	[smem:$0x3FA7] =	sst s8  }
0x11: {  	[smem:$0x3FA8] =	sst s9;
	s0 =	simm.s32 @!p0 $0x0  }
0x12: {  	s1 =	sld [smem:$0x3F8E];
	s0 =	simm.s32 @p0 $0x1  }
0x13: {  	[smem:$0x3FA9] =	sst s0;
	s0 =	simm.s32 @!p1 $0x0  }
0x14: {  	s2 =	sld [smem:$0x3F8D];
	s0 =	simm.s32 @p1 $0x1  }
0x15: {  	[smem:$0x3FAA] =	sst s0;
	s0 =	simm.s32 @!p2 $0x0  }
0x16: {  	s3 =	sld [smem:$0x3FDB];
	s0 =	simm.s32 @p2 $0x1  }
0x17: {  	s4 =	simm.s32 $0x1BF5;
	[smem:$0x3FAC] =	sst s0  }
0x18: {  	s0 =	sld [smem:$0x3F8F];
	_ =	swait.ge [sflag:s4], $0x0  }
0x19: {  	s7 =	sld [smem:$0x3F90]  }
0x1a: {  	s8 =	sadd.s32 $0xFFFFE003, lr  }
0x1b: {  	s9 =	sadd.s32 $0xFFFFFEF7, lr;
	s5 =	simm.s32 $0xFFFFFFFF;
	p2 =	slt.u32 s8, $0xFFFFF086  }
0x1c: {  	p1 =	slt.u32 s9, $0xF7A;
	s5 =	simm.s32 @!p2 $0x0  }
0x1d: {  	s5 =	simm.s32 @p1 $0x1;
	p0 =	seq.s32 s7, s2  }
0x1e: {  	s7 =	smul.u32 @!p0 $0xF7A, s2;
	p2 =	seq.s32 @!p0 s5, $0x0  }
0x1f: {  	s9 =	smul.u32 $0xF7A, s1;
	s8 =	simm.s32 @!p0 $0x1BF5;
	p2 =	por !p2, p0  }
0x20: {  	[sflag:s8] =	ssyncset.s32 @!p0 $0xFFFFF086;
	s6 =	sadd.s32 @!p0 s3, s7;
	s7 =	simm.s32 @!p0 $0x108  }
0x21: {  	s3 =	sadd.s32 s3, s9;
	s6 =	sadd.s32 @!p0 $0x88, s6;
	s7 =	simm.s32 @p2 $0x1082  }
0x22: {  	[simem:s7], [sflag:s8] =	dma.local @!p0 [hbm:s6], $0xF7A  }
0x23: {  	s9 =	sor.u32 $0xD0000000, s2;
	s6 =	simm.s32 $0x108;
	_ =	swait.ge @!p0 [sflag:s8], $0x0  }
0x24: {  	s3 =	sadd.s32 $0x88, s3;
	s6 =	simm.s32 @!p1 $0x1082;
	[sflag:s4] =	ssyncset.s32 $0xFFFFF086  }
0x25: {  	[simem:s6], [sflag:s4] =	dma.local [hbm:s3], $0xF7A  }
0x26: {  	[smem:$0x3F90] =	sst s1;
	(tag) =	ssettag s2;
	_ =	strace s9  }
0x27: {  	s1 =	sld [smem:$0x3FA0]  }
0x28: {  	s2 =	sld [smem:$0x3FA1]  }
0x29: {  	s4 =	sld [smem:$0x3FA3]  }
0x2a: {  	p0 =	seq.s32 s5, $0x0;
	s5 =	sld [smem:$0x3FA4]  }
0x2b: {  	s6 =	sld [smem:$0x3FA5]  }
0x2c: {  	s7 =	sld [smem:$0x3FA6]  }
0x2d: {  	s3 =	simm.s32 $0x108;
	s8 =	sld [smem:$0x3FA7]  }
0x2e: {  	s3 =	simm.s32 @!p0 $0x1082;
	s9 =	sld [smem:$0x3FA8]  }
0x2f: {  	lr =	sadd.s32 s0, s3;
	s0 =	sld [smem:$0x3F9F]  }
0x30: {  	s3 =	sld [smem:$0x3FA2]  }
0x31: {  	[smem:$0x3FAB] =	sst s10  }
0x32: {  	s10 =	sld [smem:$0x3FA9];
	_ =	sdelay $0x3  }
0x33: {  	p0 =	seq.s32 s10, $0x1;
	s10 =	sld [smem:$0x3FAB];
	_ =	sdelay $0x3  }
0x34: {  	[smem:$0x3FAB] =	sst s10  }
0x35: {  	s10 =	sld [smem:$0x3FAA];
	_ =	sdelay $0x3  }
0x36: {  	p1 =	seq.s32 s10, $0x1;
	s10 =	sld [smem:$0x3FAB];
	_ =	sdelay $0x3  }
0x37: {  	[smem:$0x3FAB] =	sst s10  }
0x38: {  	s10 =	sld [smem:$0x3FAC]  }
0x39: {  	_ = 	snop;
	(pc) =	sbr.ind lr, $3  }
0x3a: {  	_ = 	snop  }
0x3b: {  	_ = 	snop  }
0x3c: {  	p2 =	seq.s32 s10, $0x1;
	s10 =	sld [smem:$0x3FAB]  }
0x3d: {  	_ =	shalt  }
0x3e: {  	_ =	shalt  }
0x3f: {  	_ =	shalt  }
0x40: {  	_ =	shalt  }
0x41: {  	_ =	shalt  }
0x42: {  	_ =	shalt  }
0x43: {  	_ =	shalt  }
0x44: {  	_ =	shalt  }
0x45: {  	_ =	shalt  }
0x46: {  	_ =	shalt  }
0x47: {  	_ =	shalt  }
0x48: {  	_ =	shalt  }
0x49: {  	_ =	shalt  }
0x4a: {  	_ =	shalt  }
0x4b: {  	_ =	shalt  }
0x4c: {  	_ =	shalt  }
0x4d: {  	_ =	shalt  }
0x4e: {  	_ =	shalt  }
0x4f: {  	_ =	shalt  }
0x50: {  	_ =	shalt  }
0x51: {  	_ =	shalt  }
0x52: {  	_ =	shalt  }
0x53: {  	_ =	shalt  }
0x54: {  	_ =	shalt  }
0x55: {  	_ =	shalt  }
0x56: {  	_ =	shalt  }
0x57: {  	_ =	shalt  }
0x58: {  	_ =	shalt  }
0x59: {  	_ =	shalt  }
0x5a: {  	_ =	shalt  }
0x5b: {  	_ =	shalt  }
0x5c: {  	_ =	shalt  }
0x5d: {  	_ =	shalt  }
0x5e: {  	_ =	shalt  }
0x5f: {  	_ =	shalt  }
0x60: {  	_ =	shalt  }
0x61: {  	_ =	shalt  }
0x62: {  	_ =	shalt  }
0x63: {  	_ =	shalt  }
0x64: {  	_ =	shalt  }
0x65: {  	_ =	shalt  }
0x66: {  	_ =	shalt  }
0x67: {  	_ =	shalt  }
0x68: {  	_ =	shalt  }
0x69: {  	_ =	shalt  }
0x6a: {  	_ =	shalt  }
0x6b: {  	_ =	shalt  }
0x6c: {  	_ =	shalt  }
0x6d: {  	_ =	shalt  }
0x6e: {  	_ =	shalt  }
0x6f: {  	_ =	shalt  }
0x70: {  	_ =	shalt  }
0x71: {  	_ =	shalt  }
0x72: {  	_ =	shalt  }
0x73: {  	_ =	shalt  }
0x74: {  	_ =	shalt  }
0x75: {  	_ =	shalt  }
0x76: {  	_ =	shalt  }
0x77: {  	_ =	shalt  }
0x78: {  	_ =	shalt  }
0x79: {  	_ =	shalt  }
0x7a: {  	_ =	shalt  }
0x7b: {  	_ =	shalt  }
0x7c: {  	_ =	shalt  }
0x7d: {  	_ =	shalt  }
0x7e: {  	_ =	shalt  }
0x7f: {  	_ =	shalt  }
0x80: {  	_ =	shalt  }
0x81: {  	_ =	shalt  }
0x82: {  	_ =	shalt  }
0x83: {  	_ =	shalt  }
0x84: {  	_ =	shalt  }
0x85: {  	_ =	shalt  }
0x86: {  	_ =	shalt  }
0x87: {  	_ =	shalt  }
.Lfunc_end0:
.L_simem_size_0:
called_computation.1_lowered:
.L_overlay_start_0:
0x88: {  	s2 =	sld [smem:$0x3FD9]  }
0x89: {  	s3 =	sld [smem:$0x3FFE];
	_ =	sdelay $0x1  }
0x8a: {  	s1 =	srdreg.scid  }
0x8b: {  	s0 =	sand.u32 $0x1, s1  }
0x8c: {  	s17 =	sshll.u32 s0, $0xA;
	s2 =	sadd.s32 s3, s2  }
0x8d: {  	s2 =	sadd.s32 s2, s17  }
0x8e: {  	[smem:$0x3FB7] =	sst s2  }
0x8f: {  	_ = 	snop  }
0x90: {  	(tm) =	ssettm $0x1  }
0x91: {  	s18 =	sld [smem:$0x3FFB];
	_ =	sdelay $0x3  }
0x92: {  	_ =	strace s18  }
0x93: {  	s2 =	sld [smem:$0x3FFC];
	_ =	sdelay $0x3  }
0x94: {  	_ =	strace s2  }
0x95: {  	s2 =	sld [smem:$0x3FFD];
	_ =	sdelay $0x3  }
0x96: {  	_ =	strace s2  }
0x97: {  	_ =	strace $0x8FFFFFFF  }
0x98: {  	s19 =	sld [smem:$0x3FDB];
	_ =	sdelay $0x1  }
0x99: {  	s20 =	simm.s32 $_scs_section_size  }
0x9a: {  	s4 =	simm.s32 $_size__tile_overlayer_lowered;
	s5 =	simm.s32 $_tile_overlayer_lowered  }
0x9b: {  	s6 =	simm.s32 $0x1BFF;
	s21 =	sshll.u32 s5, $0x1;
	s3 =	sadd.s32 s20, s19  }
0x9c: {  	s22 =	simm.s32 $0x0;
	s4 =	sshll.u32 s4, $0x1;
	s5 =	sadd.s32 s21, s3  }
0x9d: {  	[timem:s22], [sflag:s6] =	dma.local [hbm:s5], s4  }
0x9e: {  	_ =	swait.ge [sflag:s6], s4  }
0x9f: {  	s4 =	ssub.s32 $0x0, s4;
	[sflag:s6] =	ssyncset.done $0x0  }
0xa0: {  	[sflag:s6] =	ssyncadd.s32 s4;
	_ =	sdelay $0x1  }
0xa1: {  	s23 =	simm.s32 $0x1B8B  }
0xa2: {  	_ =	swait.ge [sflag:s23], $0x1  }
0xa3: {  	[sflag:s23] =	ssyncset.done $0x0  }
0xa4: {  	[sflag:s23] =	ssyncadd.s32 $0xFFFFFFFF  }
0xa5: {  	s4 =	sld [smem:$0x0]  }
0xa6: {  	s5 =	sand.u32 $0xFFFFFFFE, s1  }
0xa7: {  	p0 =	sne.s32 s1, s5  }
0xa8: {  	s5 =	sshll.u32 @p0 s5, $0xE  }
0xa9: {  	s5 =	sadd.s32 @p0 $0x11B8D, s5;
	s6 =	sshll.u32 @p0 s4, $0x11  }
0xaa: {  	s5 =	sor.u32 @p0 s6, s5  }
0xab: {  	[sflag:s5] =	ssyncadd.remote.s32 @p0 $0x1;
	_ =	sdelay $0x1  }
0xac: {  	s5 =	simm.s32 @p0 $0x1B8D  }
0xad: {  	_ =	swait.eq @p0 [sflag:s5], $0x1  }
0xae: {  	[sflag:s5] =	ssyncadd.s32 @p0 $0xFFFFFFFF  }
0xaf: {  	s6 =	sshll.u32 @!p0 s1, $0xE  }
0xb0: {  	s6 =	sor.u32 @!p0 $0x4000, s6;
	s5 =	simm.s32 @!p0 $0x1B8D  }
0xb1: {  	s4 =	sshll.u32 @!p0 s4, $0x11;
	s6 =	sadd.s32 @!p0 $0x11B8D, s6;
	_ =	swait.eq @!p0 [sflag:s5], $0x1  }
0xb2: {  	s4 =	sor.u32 @!p0 s4, s6;
	[sflag:s5] =	ssyncadd.s32 @!p0 $0xFFFFFFFF  }
0xb3: {  	s25 =	simm.s32 $0x1B8E;
	s24 =	sld [smem:$0x3FFE];
	[sflag:s4] =	ssyncadd.remote.s32 @!p0 $0x1  }
0xb4: {  	s26 =	simm.s32 $execute0_lowered;
	[smem:$0x3FD2] =	sst s25  }
0xb5: {  	s5 =	sshll.u32 s26, $0x1;
	_ =	strace $0x80000049;
	[dreg:$0x1] =	wrdreg $0xFFFFFFFF  }
0xb6: {  	s28 =	simm.s32 $_size_execute0_lowered;
	s3 =	sadd.s32 s3, s5;
	[dreg:$0x0] =	wrdreg $0x0  }
0xb7: {  	s5 =	sshll.u32 s28, $0x1;
	[dreg:$0x2] =	wrdreg s3  }
0xb8: {  	[dreg:$0x3] =	wrdreg s5  }
0xb9: {  	[dreg:$0x4] =	wrdreg $0xC0  }
0xba: {  	_ =	task [dreg:s22], $0x5FFFF  }
0xbb: {  	[dreg:$0x1] =	wrdreg $0xFFFFFFFF  }
0xbc: {  	[dreg:$0x0] =	wrdreg $0x60  }
0xbd: {  	[dreg:$0x2] =	wrdreg s24  }
0xbe: {  	[dreg:$0x3] =	wrdreg $0x68000  }
0xbf: {  	[dreg:$0x4] =	wrdreg $0xB  }
0xc0: {  	_ =	task.clear_ibuf [dreg:s22], $0x5FFFF;
	_ =	strace $0x90000049  }
0xc1: {  	s29 =	simm.s32 $0xB;
	_ =	strace $0x8000004B  }
0xc2: {  	_ =	swait.ge [sflag:s29], $0x1  }
0xc3: {  	[sflag:s29] =	ssyncadd.s32 $0xFFFFFFFF  }
0xc4: {  	_ =	strace $0x9000004B  }
0xc5: {  	_ =	sfence  }
0xc6: {  	s30 =	sld [smem:$0x0];
	_ =	sdelay $0x2  }
0xc7: {  	s31 =	sshll.u32 s1, $0xD;
	s1 =	sshrl.u32 s1, $0x2  }
0xc8: {  	s4 =	sand.u32 $0x4000, s31;
	s1 =	sadd.s32 s1, s30  }
0xc9: {  	s0 =	sor.u32 s4, s0;
	s1 =	sshll.u32 s1, $0x11  }
0xca: {  	s0 =	sor.u32 s1, s0  }
0xcb: {  	s0 =	sadd.s32 $0x8F2B, s0  }
0xcc: {  	[sflag:s0] =	ssyncadd.remote.s32 $0x1  }
0xcd: {  	_ =	sfence.sel $0xFFFF  }
0xce: {  	[dreg:$0x0] =	wrdreg $0xFFFFFFFF;
	(pc) =	sbr.abs _section_cstart, $3  }
0xcf: {  	[dreg:$0x1] =	wrdreg $0xFFFFFFFF  }
0xd0: {  	_ =	task.clear_ibuf [dreg:s22], $0x2FFFF;
	_ =	strace $0x9FFFFFFF  }
0xd1: {  	(tm) =	ssettm $0x7FFFFFFF  }
tec
execute0_lowered:
.L_overlay_start_1:
0x0: {  	(tag) =	ssettag $0x1  }
0x1: {  	s1 =	srdreg.scid  }
0x2: {  	s0 =	stileid.u32;
	s7 =	rddreg [dreg:$0x0]  }
0x3: {  	s2 =	rddreg [dreg:$0x1];
	s3 =	simm.s32 $0x0;
	s12 =	simm.s32 $0x2800  }
0x4: {  	s13 =	simm.s32 $0x80;
	s14 =	simm.s32 $0x0;
	s8 =	smul.u32 $0x14000, s0  }
0x5: {  	s6 =	sand.u32 $0x1, s1;
	s29 =	sshll.u32 s0, $0x1;
	s10 =	smul.u32 $0x50000, s0  }
0x6: {  	[smem:$0x7FF] =	sst s3;
	s1 =	sor.u32 s6, s29;
	s5 =	smul.u32 $0x140000, s6  }
0x7: {  	s31 =	sshll.u32 s0, $0x6;
	s6 =	ssub.s32 $0x2, s6;
	s4 =	smul.u32 $0x500, s1  }
0x8: {  	s1 =	rddreg [dreg:$0x2];
	_ =	strace $0x8000004A;
	s30 =	sshrl.u32 s6, $0x1  }
0x9: {  	s10 =	sshrl.u32 s10, $0x2;
	s8 =	sadd.s32 s8, s5;
	s5 =	sadd.s32 $0x5FC00, s7  }
0xa: {  	s11 =	sadd.s32 s10, s2;
	s10 =	sor.u32 $0x1C01, s31;
	s9 =	sadd.s32 s4, s7  }
0xb: {  	s4 =	sadd.s32 $0xD400, s7;
	s8 =	sshrl.u32 s8, $0x3;
	s11 =	sshrl.u32 s11, $0x3  }
0xc: {  	s7 =	sadd.s32 s8, s7;
	s8 =	ssub.s32 s6, s30;
	s6 =	sadd.s32 $0x3400, s9  }
0xd: {  	s9 =	simm.s32 $0x1;
	s7 =	sadd.s32 $0x60400, s7;
	s8 =	smax.u32 s8, $0x1  }
.LBB2_1:
0xe: {  	[tilespmem:s3], [sflag:$0x1] =	stream.linear.gather [hbm4b:s6+s3], $0x2800, $0x38;
	[tilespmem:$0x1A800] =	vst v63  }
0xf: {  	_ =	swait.ge [sflag:s9], $0x2800  }
0x10: {  	[sflag:s9] =	ssyncset.done $0x0  }
0x11: {  	[sflag:s9] =	ssyncadd.s32 $0xFFFFD800  }
0x12: {  	[spmem:s11], [sflag:s10] =	dma.local [hbm:s4], $0x2800  }
0x13: {  	_ =	swait.ge [sflag:s9], $0x2800  }
0x14: {  	[sflag:s9] =	ssyncset.done $0x0  }
0x15: {  	[sflag:s9] =	ssyncadd.s32 $0xFFFFD800  }
0x16: {  	[tilespmem:s12], [sflag:$0x1] =	stream.linear.gather [hbm4b:s5+s3], $0x4000, $0x38;
	[tilespmem:$0x1A800] =	vst v63  }
0x17: {  	_ =	swait.ge [sflag:s9], $0x4000  }
0x18: {  	[sflag:s9] =	ssyncset.done $0x0  }
0x19: {  	[sflag:s9] =	ssyncadd.s32 $0xFFFFC000  }
0x1a: {  	s15 =	simm.s32 $0x0;
	[bflag:$0x0] =	sbarrier.arrive $0xFFFF  }
0x1b: {  	[spmem:s2] =	stream.indirect.scatter.add.f32 [tilespmem:s12], [sflag:$0x1], $0x80, s15, s13, $0xb8;
	[tilespmem:$0x1A800] =	vst v63  }
0x1c: {  	_ =	swait.ge [sflag:s9], $0x4000  }
0x1d: {  	s15 =	simm.s32 $0x200;
	[sflag:s9] =	ssyncset.done $0x0  }
.LBB2_2:
0x1e: {  	s16 =	sshra.s32 s15, $0x2;
	[sflag:s9] =	ssyncadd.s32 $0xFFFFC000;
	p0 =	sne.s32 s15, $0x9E00  }
0x1f: {  	[spmem:s2] =	stream.indirect.scatter.add.f32 [tilespmem:s12], [sflag:$0x1], $0x80, s16, s13, $0xb8;
	[tilespmem:$0x1A800] =	vst v63  }
.Ltmp0:
0x20: {  	_ = 	snop;
	(pc) =	sbr.rel @p0 .LBB2_2-.Ltmp0, $4  }
0x21: {  	_ = 	snop  }
0x22: {  	s15 =	sadd.s32 $0x200, s15  }
0x23: {  	_ =	swait.ge [sflag:s9], $0x4000  }
0x24: {  	[sflag:s9] =	ssyncset.done $0x0  }
0x25: {  	s14 =	sadd.s32 $0x1, s14  }
0x26: {  	[sflag:s9] =	ssyncadd.s32 $0xFFFFC000;
	p0 =	sne.s32 s14, s8  }
.Ltmp1:
0x27: {  	[bflag:$0x0] =	sbarrier.arrive $0xFFFF;
	(pc) =	sbr.rel @p0 .LBB2_1-.Ltmp1, $4  }
0x28: {  	[hbm:s7], [sflag:s10] =	dma.local [spmem:s11], $0x2800  }
0x29: {  	_ =	swait.ge [sflag:s9], $0x2800  }
0x2a: {  	[sflag:s9] =	ssyncset.done $0x0  }
0x2b: {  	[sflag:s9] =	ssyncadd.s32 $0xFFFFD800  }
0x2c: {  	_ =	sfence.sel $0x180000  }
0x2d: {  	[bflag:$0x0] =	sbarrier.arrive $0xFFFF  }
0x2e: {  	p0 =	sne.s32 s0, $0x0;
	_ =	strace $0x9000004A  }
0x2f: {  	s0 =	sadd.s32 @!p0 $0x100000, s1;
	[bflag:$0x2] =	sbarrier.arrive $0xFFFF  }
0x30: {  	[sflag:s0] =	ssyncadd.tile.s32 @!p0 $0x1;
	_ =	shalt  }
.Lfunc_end2:
_tile_overlayer_lowered:
.L_overlay_start_2:
0x31: {  	(tag) =	ssettag $0x2  }
0x32: {  	s0 =	rddreg [dreg:$0x0];
	s2 =	stileid.u32  }
0x33: {  	s1 =	rddreg [dreg:$0x1];
	p0 =	sne.s32 s2, $0x0  }
0x34: {  	s3 =	rddreg [dreg:$0x2];
	[bflag:$0x3] =	sbarrier.arrive $0xFFFF;
	s2 =	simm.s32 @!p0 $0x1C01  }
0x35: {  	[timem:s3], [sflag:s2] =	dma.local @!p0 [hbm:s0], s1  }
0x36: {  	s0 =	simm.s32 @!p0 $0x1  }
0x37: {  	_ =	swait.ge @!p0 [sflag:s0], s1  }
0x38: {  	s1 =	ssub.s32 @!p0 $0x0, s1;
	[sflag:s0] =	ssyncset.done @!p0 $0x0  }
0x39: {  	[sflag:s0] =	ssyncadd.s32 @!p0 s1  }
0x3a: {  	[bflag:$0x3] =	sbarrier.arrive $0xFFFF  }
0x3b: {  	_ =	shalt  }

// kernel: kernel.16.cloned.1.call-start
scs
__scs_entry_jumppad:
0x0: {  	(pc) =	sbr.rel $0x88, $3  }
0x1: {  	(tag) =	ssettag $0x0;
	lr =	simm.s32 $0x1  }
0x2: {  	[smem:$0x3F90] =	sst lr;
	_ =	strace $0xD0000000  }
0x3: {  	_ = 	snop  }
0x4: {  	_ = 	snop  }
0x5: {  	_ = 	snop  }
0x6: {  	_ = 	snop  }
0x7: {  	_ = 	snop  }
__scs_overlays_trampoline_lowered:
0x8: {  	[smem:$0x3F9F] =	sst s0  }
0x9: {  	[smem:$0x3FA0] =	sst s1  }
0xa: {  	[smem:$0x3FA1] =	sst s2  }
0xb: {  	[smem:$0x3FA2] =	sst s3  }
0xc: {  	[smem:$0x3FA3] =	sst s4  }
0xd: {  	[smem:$0x3FA4] =	sst s5  }
0xe: {  	[smem:$0x3FA5] =	sst s6  }
0xf: {  	[smem:$0x3FA6] =	sst s7  }
0x10: {  	[smem:$0x3FA7] =	sst s8  }
0x11: {  	[smem:$0x3FA8] =	sst s9;
	s0 =	simm.s32 @!p0 $0x0  }
0x12: {  	s1 =	sld [smem:$0x3F8E];
	s0 =	simm.s32 @p0 $0x1  }
0x13: {  	[smem:$0x3FA9] =	sst s0;
	s0 =	simm.s32 @!p1 $0x0  }
0x14: {  	s2 =	sld [smem:$0x3F8D];
	s0 =	simm.s32 @p1 $0x1  }
0x15: {  	[smem:$0x3FAA] =	sst s0;
	s0 =	simm.s32 @!p2 $0x0  }
0x16: {  	s3 =	sld [smem:$0x3FDB];
	s0 =	simm.s32 @p2 $0x1  }
0x17: {  	s4 =	simm.s32 $0x1BF5;
	[smem:$0x3FAC] =	sst s0  }
0x18: {  	s0 =	sld [smem:$0x3F8F];
	_ =	swait.ge [sflag:s4], $0x0  }
0x19: {  	s7 =	sld [smem:$0x3F90]  }
0x1a: {  	s8 =	sadd.s32 $0xFFFFE003, lr  }
0x1b: {  	s9 =	sadd.s32 $0xFFFFFEF7, lr;
	s5 =	simm.s32 $0xFFFFFFFF;
	p2 =	slt.u32 s8, $0xFFFFF086  }
0x1c: {  	p1 =	slt.u32 s9, $0xF7A;
	s5 =	simm.s32 @!p2 $0x0  }
0x1d: {  	s5 =	simm.s32 @p1 $0x1;
	p0 =	seq.s32 s7, s2  }
0x1e: {  	s7 =	smul.u32 @!p0 $0xF7A, s2;
	p2 =	seq.s32 @!p0 s5, $0x0  }
0x1f: {  	s9 =	smul.u32 $0xF7A, s1;
	s8 =	simm.s32 @!p0 $0x1BF5;
	p2 =	por !p2, p0  }
0x20: {  	[sflag:s8] =	ssyncset.s32 @!p0 $0xFFFFF086;
	s6 =	sadd.s32 @!p0 s3, s7;
	s7 =	simm.s32 @!p0 $0x108  }
0x21: {  	s3 =	sadd.s32 s3, s9;
	s6 =	sadd.s32 @!p0 $0x88, s6;
	s7 =	simm.s32 @p2 $0x1082  }
0x22: {  	[simem:s7], [sflag:s8] =	dma.local @!p0 [hbm:s6], $0xF7A  }
0x23: {  	s9 =	sor.u32 $0xD0000000, s2;
	s6 =	simm.s32 $0x108;
	_ =	swait.ge @!p0 [sflag:s8], $0x0  }
0x24: {  	s3 =	sadd.s32 $0x88, s3;
	s6 =	simm.s32 @!p1 $0x1082;
	[sflag:s4] =	ssyncset.s32 $0xFFFFF086  }
0x25: {  	[simem:s6], [sflag:s4] =	dma.local [hbm:s3], $0xF7A  }
0x26: {  	[smem:$0x3F90] =	sst s1;
	(tag) =	ssettag s2;
	_ =	strace s9  }
0x27: {  	s1 =	sld [smem:$0x3FA0]  }
0x28: {  	s2 =	sld [smem:$0x3FA1]  }
0x29: {  	s4 =	sld [smem:$0x3FA3]  }
0x2a: {  	p0 =	seq.s32 s5, $0x0;
	s5 =	sld [smem:$0x3FA4]  }
0x2b: {  	s6 =	sld [smem:$0x3FA5]  }
0x2c: {  	s7 =	sld [smem:$0x3FA6]  }
0x2d: {  	s3 =	simm.s32 $0x108;
	s8 =	sld [smem:$0x3FA7]  }
0x2e: {  	s3 =	simm.s32 @!p0 $0x1082;
	s9 =	sld [smem:$0x3FA8]  }
0x2f: {  	lr =	sadd.s32 s0, s3;
	s0 =	sld [smem:$0x3F9F]  }
0x30: {  	s3 =	sld [smem:$0x3FA2]  }
0x31: {  	[smem:$0x3FAB] =	sst s10  }
0x32: {  	s10 =	sld [smem:$0x3FA9];
	_ =	sdelay $0x3  }
0x33: {  	p0 =	seq.s32 s10, $0x1;
	s10 =	sld [smem:$0x3FAB];
	_ =	sdelay $0x3  }
0x34: {  	[smem:$0x3FAB] =	sst s10  }
0x35: {  	s10 =	sld [smem:$0x3FAA];
	_ =	sdelay $0x3  }
0x36: {  	p1 =	seq.s32 s10, $0x1;
	s10 =	sld [smem:$0x3FAB];
	_ =	sdelay $0x3  }
0x37: {  	[smem:$0x3FAB] =	sst s10  }
0x38: {  	s10 =	sld [smem:$0x3FAC]  }
0x39: {  	_ = 	snop;
	(pc) =	sbr.ind lr, $3  }
0x3a: {  	_ = 	snop  }
0x3b: {  	_ = 	snop  }
0x3c: {  	p2 =	seq.s32 s10, $0x1;
	s10 =	sld [smem:$0x3FAB]  }
0x3d: {  	_ =	shalt  }
0x3e: {  	_ =	shalt  }
0x3f: {  	_ =	shalt  }
0x40: {  	_ =	shalt  }
0x41: {  	_ =	shalt  }
0x42: {  	_ =	shalt  }
0x43: {  	_ =	shalt  }
0x44: {  	_ =	shalt  }
0x45: {  	_ =	shalt  }
0x46: {  	_ =	shalt  }
0x47: {  	_ =	shalt  }
0x48: {  	_ =	shalt  }
0x49: {  	_ =	shalt  }
0x4a: {  	_ =	shalt  }
0x4b: {  	_ =	shalt  }
0x4c: {  	_ =	shalt  }
0x4d: {  	_ =	shalt  }
0x4e: {  	_ =	shalt  }
0x4f: {  	_ =	shalt  }
0x50: {  	_ =	shalt  }
0x51: {  	_ =	shalt  }
0x52: {  	_ =	shalt  }
0x53: {  	_ =	shalt  }
0x54: {  	_ =	shalt  }
0x55: {  	_ =	shalt  }
0x56: {  	_ =	shalt  }
0x57: {  	_ =	shalt  }
0x58: {  	_ =	shalt  }
0x59: {  	_ =	shalt  }
0x5a: {  	_ =	shalt  }
0x5b: {  	_ =	shalt  }
0x5c: {  	_ =	shalt  }
0x5d: {  	_ =	shalt  }
0x5e: {  	_ =	shalt  }
0x5f: {  	_ =	shalt  }
0x60: {  	_ =	shalt  }
0x61: {  	_ =	shalt  }
0x62: {  	_ =	shalt  }
0x63: {  	_ =	shalt  }
0x64: {  	_ =	shalt  }
0x65: {  	_ =	shalt  }
0x66: {  	_ =	shalt  }
0x67: {  	_ =	shalt  }
0x68: {  	_ =	shalt  }
0x69: {  	_ =	shalt  }
0x6a: {  	_ =	shalt  }
0x6b: {  	_ =	shalt  }
0x6c: {  	_ =	shalt  }
0x6d: {  	_ =	shalt  }
0x6e: {  	_ =	shalt  }
0x6f: {  	_ =	shalt  }
0x70: {  	_ =	shalt  }
0x71: {  	_ =	shalt  }
0x72: {  	_ =	shalt  }
0x73: {  	_ =	shalt  }
0x74: {  	_ =	shalt  }
0x75: {  	_ =	shalt  }
0x76: {  	_ =	shalt  }
0x77: {  	_ =	shalt  }
0x78: {  	_ =	shalt  }
0x79: {  	_ =	shalt  }
0x7a: {  	_ =	shalt  }
0x7b: {  	_ =	shalt  }
0x7c: {  	_ =	shalt  }
0x7d: {  	_ =	shalt  }
0x7e: {  	_ =	shalt  }
0x7f: {  	_ =	shalt  }
0x80: {  	_ =	shalt  }
0x81: {  	_ =	shalt  }
0x82: {  	_ =	shalt  }
0x83: {  	_ =	shalt  }
0x84: {  	_ =	shalt  }
0x85: {  	_ =	shalt  }
0x86: {  	_ =	shalt  }
0x87: {  	_ =	shalt  }
.Lfunc_end0:
.L_simem_size_0:
called_computation.2_lowered:
.L_overlay_start_0:
0x88: {  	s2 =	sld [smem:$0x3FD9]  }
0x89: {  	s3 =	sld [smem:$0x3FFE];
	_ =	sdelay $0x1  }
0x8a: {  	s1 =	srdreg.scid  }
0x8b: {  	s0 =	sand.u32 $0x1, s1  }
0x8c: {  	s15 =	sshll.u32 s0, $0xA;
	s2 =	sadd.s32 s3, s2  }
0x8d: {  	s2 =	sadd.s32 s2, s15  }
0x8e: {  	[smem:$0x3FB7] =	sst s2  }
0x8f: {  	_ = 	snop  }
0x90: {  	s2 =	sld [smem:$0x3FD0];
	_ =	sdelay $0x2  }
0x91: {  	s4 =	simm.s32 $0xD;
	s5 =	simm.s32 $0x10;
	s16 =	sld [smem:$0x3FC8]  }
0x92: {  	[smem:s5], [sflag:s4] =	dma.local [hbm:s2], $0x1  }
0x93: {  	_ =	swait.eq [sflag:s4], $0x1  }
0x94: {  	[sflag:s4] =	ssyncset.done $0x0  }
0x95: {  	[sflag:s4] =	ssyncadd.s32 $0xFFFFFFFF  }
0x96: {  	s17 =	sld [smem:$0x10];
	(tm) =	ssettm $0x1  }
0x97: {  	s18 =	sld [smem:$0x3FFB];
	_ =	sdelay $0x3  }
0x98: {  	_ =	strace s18  }
0x99: {  	s2 =	sld [smem:$0x3FFC];
	_ =	sdelay $0x3  }
0x9a: {  	_ =	strace s2  }
0x9b: {  	s2 =	sld [smem:$0x3FFD];
	_ =	sdelay $0x3  }
0x9c: {  	_ =	strace s2  }
0x9d: {  	_ =	strace $0x8FFFFFFF  }
0x9e: {  	s19 =	sld [smem:$0x3FDB];
	_ =	sdelay $0x1  }
0x9f: {  	s20 =	simm.s32 $_scs_section_size  }
0xa0: {  	s6 =	simm.s32 $_size__tile_overlayer_lowered;
	s7 =	simm.s32 $_tile_overlayer_lowered  }
0xa1: {  	s8 =	simm.s32 $0x1BFF;
	s21 =	sshll.u32 s7, $0x1;
	s5 =	sadd.s32 s20, s19  }
0xa2: {  	s22 =	simm.s32 $0x0;
	s6 =	sshll.u32 s6, $0x1;
	s7 =	sadd.s32 s21, s5  }
0xa3: {  	[timem:s22], [sflag:s8] =	dma.local [hbm:s7], s6  }
0xa4: {  	_ =	swait.ge [sflag:s8], s6  }
0xa5: {  	s6 =	ssub.s32 $0x0, s6;
	[sflag:s8] =	ssyncset.done $0x0  }
0xa6: {  	[sflag:s8] =	ssyncadd.s32 s6;
	_ =	sdelay $0x1  }
0xa7: {  	s23 =	simm.s32 $0x1B8B  }
0xa8: {  	_ =	swait.ge [sflag:s23], $0x1  }
0xa9: {  	[sflag:s23] =	ssyncset.done $0x0  }
0xaa: {  	[sflag:s23] =	ssyncadd.s32 $0xFFFFFFFF  }
0xab: {  	s6 =	sld [smem:$0x0]  }
0xac: {  	s7 =	sand.u32 $0xFFFFFFFE, s1  }
0xad: {  	p0 =	sne.s32 s1, s7  }
0xae: {  	s7 =	sshll.u32 @p0 s7, $0xE  }
0xaf: {  	s7 =	sadd.s32 @p0 $0x11B8D, s7;
	s8 =	sshll.u32 @p0 s6, $0x11  }
0xb0: {  	s7 =	sor.u32 @p0 s8, s7  }
0xb1: {  	[sflag:s7] =	ssyncadd.remote.s32 @p0 $0x1;
	_ =	sdelay $0x1  }
0xb2: {  	s7 =	simm.s32 @p0 $0x1B8D  }
0xb3: {  	_ =	swait.eq @p0 [sflag:s7], $0x1  }
0xb4: {  	[sflag:s7] =	ssyncadd.s32 @p0 $0xFFFFFFFF  }
0xb5: {  	s8 =	sshll.u32 @!p0 s1, $0xE  }
0xb6: {  	s8 =	sor.u32 @!p0 $0x4000, s8;
	s7 =	simm.s32 @!p0 $0x1B8D  }
0xb7: {  	s6 =	sshll.u32 @!p0 s6, $0x11;
	s8 =	sadd.s32 @!p0 $0x11B8D, s8;
	_ =	swait.eq @!p0 [sflag:s7], $0x1  }
0xb8: {  	s6 =	sor.u32 @!p0 s6, s8;
	[sflag:s7] =	ssyncadd.s32 @!p0 $0xFFFFFFFF  }
0xb9: {  	s25 =	simm.s32 $0x1B8E;
	s24 =	sld [smem:$0x3FFE];
	[sflag:s6] =	ssyncadd.remote.s32 @!p0 $0x1  }
0xba: {  	s26 =	simm.s32 $execute0_lowered;
	[smem:$0x3FD2] =	sst s25  }
0xbb: {  	s7 =	sshll.u32 s26, $0x1;
	_ =	strace $0x8000004C;
	[dreg:$0x1] =	wrdreg $0xFFFFFFFF  }
0xbc: {  	s28 =	simm.s32 $_size_execute0_lowered;
	s5 =	sadd.s32 s5, s7;
	[dreg:$0x0] =	wrdreg $0x0  }
0xbd: {  	s7 =	sshll.u32 s28, $0x1;
	[dreg:$0x2] =	wrdreg s5  }
0xbe: {  	[dreg:$0x3] =	wrdreg s7  }
0xbf: {  	[dreg:$0x4] =	wrdreg $0xC0  }
0xc0: {  	_ =	task [dreg:s22], $0x5FFFF  }
0xc1: {  	[dreg:$0x1] =	wrdreg $0xFFFFFFFF  }
0xc2: {  	[dreg:$0x0] =	wrdreg $0x60  }
0xc3: {  	[dreg:$0x2] =	wrdreg s16  }
0xc4: {  	[dreg:$0x3] =	wrdreg s24  }
0xc5: {  	[dreg:$0x4] =	wrdreg s17  }
0xc6: {  	[dreg:$0x5] =	wrdreg $0x90000  }
0xc7: {  	[dreg:$0x6] =	wrdreg $0xA  }
0xc8: {  	_ =	task.clear_ibuf [dreg:s22], $0x7FFFF;
	_ =	strace $0x9000004C  }
0xc9: {  	s29 =	simm.s32 $0xA;
	_ =	strace $0x8000004E  }
0xca: {  	_ =	swait.ge [sflag:s29], $0x1  }
0xcb: {  	[sflag:s29] =	ssyncadd.s32 $0xFFFFFFFF  }
0xcc: {  	_ =	strace $0x9000004E  }
0xcd: {  	_ =	sfence  }
0xce: {  	s30 =	sld [smem:$0x0];
	_ =	sdelay $0x2  }
0xcf: {  	s31 =	sshll.u32 s1, $0xD;
	s1 =	sshrl.u32 s1, $0x2  }
0xd0: {  	s4 =	sand.u32 $0x4000, s31;
	s1 =	sadd.s32 s1, s30  }
0xd1: {  	s0 =	sor.u32 s4, s0;
	s1 =	sshll.u32 s1, $0x11  }
0xd2: {  	s0 =	sor.u32 s1, s0  }
0xd3: {  	s0 =	sadd.s32 $0x8F2B, s0  }
0xd4: {  	[sflag:s0] =	ssyncadd.remote.s32 $0x1  }
0xd5: {  	_ =	sfence.sel $0xFFFF  }
0xd6: {  	[dreg:$0x0] =	wrdreg $0xFFFFFFFF;
	(pc) =	sbr.abs _section_cstart, $3  }
0xd7: {  	[dreg:$0x1] =	wrdreg $0xFFFFFFFF  }
0xd8: {  	_ =	task.clear_ibuf [dreg:s22], $0x2FFFF;
	_ =	strace $0x9FFFFFFF  }
0xd9: {  	(tm) =	ssettm $0x7FFFFFFF  }
tec
execute0_lowered:
.L_overlay_start_1:
0x0: {  	(tag) =	ssettag $0x1  }
0x1: {  	s1 =	rddreg [dreg:$0x0]  }
0x2: {  	s6 =	rddreg [dreg:$0x1]  }
0x3: {  	s2 =	srdreg.scid;
	s7 =	rddreg [dreg:$0x2]  }
0x4: {  	s0 =	stileid.u32;
	s3 =	rddreg [dreg:$0x3];
	s4 =	simm.s32 $0x0  }
0x5: {  	s14 =	simm.s32 $0x80;
	s15 =	simm.s32 $0x5000;
	s16 =	simm.s32 $0x1  }
0x6: {  	s17 =	simm.s32 $0x0;
	s5 =	sand.u32 $0x1, s2;
	s10 =	smul.u32 $0x14000, s0  }
0x7: {  	s28 =	sshll.u32 s0, $0x1;
	[smem:$0x7FF] =	sst s4;
	s13 =	smul.u32 $0x50000, s0  }
0x8: {  	s31 =	sshll.u32 s0, $0x6;
	s2 =	sor.u32 s5, s28;
	s9 =	smul.u32 $0x140000, s5  }
0x9: {  	s29 =	ssub.s32 $0x2, s5;
	s5 =	sadd.s32 $0xD400, s6;
	s8 =	smul.u32 $0x500, s2  }
0xa: {  	s2 =	rddreg [dreg:$0x4];
	_ =	strace $0x8000004D;
	s12 =	sshrl.u32 s29, $0x1  }
0xb: {  	s30 =	sshrl.u32 s13, $0x2;
	s9 =	sadd.s32 s10, s9;
	s10 =	ssub.s32 s29, s12  }
0xc: {  	s13 =	sadd.s32 s30, s3;
	s12 =	sor.u32 $0x1C02, s31;
	s11 =	sadd.s32 s8, s6  }
0xd: {  	s9 =	sshrl.u32 s9, $0x3;
	s7 =	sadd.s32 s7, s8;
	s13 =	sshrl.u32 s13, $0x3  }
0xe: {  	s9 =	sadd.s32 s9, s6;
	s6 =	sadd.s32 $0xB0400, s11;
	s11 =	simm.s32 $0x2800  }
0xf: {  	s8 =	sadd.s32 $0xBA400, s9;
	s9 =	smax.u32 s10, $0x1;
	s10 =	simm.s32 $0x2  }
.LBB2_1:
0x10: {  	[tilespmem:s4], [sflag:$0x2] =	stream.linear.gather [hbm4b:s6+s4], $0x2800, $0x38;
	[tilespmem:$0x1D000] =	vst v63  }
0x11: {  	_ =	swait.ge [sflag:s10], $0x2800  }
0x12: {  	[sflag:s10] =	ssyncset.done $0x0  }
0x13: {  	[sflag:s10] =	ssyncadd.s32 $0xFFFFD800  }
0x14: {  	[tilespmem:s11], [sflag:$0x2] =	stream.linear.gather [hbm4b:s7+s4], $0x2800, $0x38;
	[tilespmem:$0x1D000] =	vst v63  }
0x15: {  	_ =	swait.ge [sflag:s10], $0x2800  }
0x16: {  	[sflag:s10] =	ssyncset.done $0x0  }
0x17: {  	[sflag:s10] =	ssyncadd.s32 $0xFFFFD800  }
0x18: {  	[spmem:s13], [sflag:s12] =	dma.local [hbm:s5], $0x2800  }
0x19: {  	_ =	swait.ge [sflag:s10], $0x2800  }
0x1a: {  	[sflag:s10] =	ssyncset.done $0x0  }
0x1b: {  	[sflag:s10] =	ssyncadd.s32 $0xFFFFD800  }
0x1c: {  	s18 =	simm.s32 $0x0;
	[bflag:$0x0] =	sbarrier.arrive $0xFFFF  }
0x1d: {  	[tilespmem:s15], [sflag:$0x1] =	stream.indirect.gather [hbm4b:s1+s14], $0x80, s18, s14, $0xb8;
	[tilespmem:$0x1D000] =	vst v63  }
0x1e: {  	_ =	swait.ge [sflag:s16], $0x4000  }
0x1f: {  	[sflag:s16] =	ssyncset.done $0x0  }
0x20: {  	s31 =	simm.s32 $0x2800;
	[sflag:s16] =	ssyncadd.s32 $0xFFFFC000  }
0x21: {  	[spmem:s3] =	stream.indirect.scatter.add.f32 [tilespmem:s15], [sflag:$0x2], $0x80, s31, s14, $0xb8;
	[tilespmem:$0x1D000] =	vst v63  }
0x22: {  	_ =	swait.ge [sflag:s10], $0x4000  }
0x23: {  	s19 =	simm.s32 $0x400;
	s18 =	simm.s32 $0x200;
	[sflag:s10] =	ssyncset.done $0x0  }
.LBB2_2:
0x24: {  	s20 =	sshra.s32 s18, $0x2  }
0x25: {  	[sflag:s10] =	ssyncadd.s32 $0xFFFFC000;
	s18 =	smov.u32 s19;
	s21 =	sadd.s32 $0x200, s19  }
0x26: {  	[tilespmem:s15], [sflag:$0x1] =	stream.indirect.gather [hbm4b:s1+s14], $0x80, s20, s14, $0xb8;
	[tilespmem:$0x1D000] =	vst v63  }
0x27: {  	p0 =	sne.s32 s19, $0x9E00;
	_ =	swait.ge [sflag:s16], $0x4000  }
.Ltmp0:
0x28: {  	[sflag:s16] =	ssyncset.done $0x0;
	(pc) =	sbr.rel @p0 .LBB2_2-.Ltmp0, $4  }
0x29: {  	s19 =	sadd.s32 $0x2800, s20;
	[sflag:s16] =	ssyncadd.s32 $0xFFFFC000  }
0x2a: {  	[spmem:s3] =	stream.indirect.scatter.add.f32 [tilespmem:s15], [sflag:$0x2], $0x80, s19, s14, $0xb8;
	[tilespmem:$0x1D000] =	vst v63  }
0x2b: {  	_ =	swait.ge [sflag:s10], $0x4000  }
0x2c: {  	s19 =	smov.u32 s21;
	[sflag:s10] =	ssyncset.done $0x0  }
0x2d: {  	s18 =	sshra.s32 s18, $0x2;
	[sflag:s10] =	ssyncadd.s32 $0xFFFFC000  }
0x2e: {  	[tilespmem:s15], [sflag:$0x1] =	stream.indirect.gather [hbm4b:s1+s14], $0x80, s18, s14, $0xb8;
	[tilespmem:$0x1D000] =	vst v63  }
0x2f: {  	_ =	swait.ge [sflag:s16], $0x4000  }
0x30: {  	[sflag:s16] =	ssyncset.done $0x0  }
0x31: {  	s18 =	sadd.s32 $0x2800, s18;
	[sflag:s16] =	ssyncadd.s32 $0xFFFFC000  }
0x32: {  	[spmem:s3] =	stream.indirect.scatter.add.f32 [tilespmem:s15], [sflag:$0x2], $0x80, s18, s14, $0xb8;
	[tilespmem:$0x1D000] =	vst v63  }
0x33: {  	_ =	swait.ge [sflag:s10], $0x4000  }
0x34: {  	s17 =	sadd.s32 $0x1, s17;
	[sflag:s10] =	ssyncset.done $0x0  }
0x35: {  	p0 =	sne.s32 s17, s9;
	[sflag:s10] =	ssyncadd.s32 $0xFFFFC000  }
.Ltmp1:
0x36: {  	[bflag:$0x0] =	sbarrier.arrive $0xFFFF;
	(pc) =	sbr.rel @p0 .LBB2_1-.Ltmp1, $4  }
0x37: {  	[hbm:s8], [sflag:s12] =	dma.local [spmem:s13], $0x2800  }
0x38: {  	_ =	swait.ge [sflag:s10], $0x2800  }
0x39: {  	[sflag:s10] =	ssyncset.done $0x0  }
0x3a: {  	[sflag:s10] =	ssyncadd.s32 $0xFFFFD800  }
0x3b: {  	_ =	sfence.sel $0x180000  }
0x3c: {  	[bflag:$0x0] =	sbarrier.arrive $0xFFFF  }
0x3d: {  	p0 =	sne.s32 s0, $0x0;
	_ =	strace $0x9000004D  }
0x3e: {  	s0 =	sadd.s32 @!p0 $0x100000, s2;
	[bflag:$0x2] =	sbarrier.arrive $0xFFFF  }
0x3f: {  	[sflag:s0] =	ssyncadd.tile.s32 @!p0 $0x1;
	_ =	shalt  }
.Lfunc_end2:
_tile_overlayer_lowered:
.L_overlay_start_2:
0x40: {  	(tag) =	ssettag $0x2  }
0x41: {  	s0 =	rddreg [dreg:$0x0];
	s2 =	stileid.u32  }
0x42: {  	s1 =	rddreg [dreg:$0x1];
	p0 =	sne.s32 s2, $0x0  }
0x43: {  	s3 =	rddreg [dreg:$0x2];
	[bflag:$0x3] =	sbarrier.arrive $0xFFFF;
	s2 =	simm.s32 @!p0 $0x1C02  }
0x44: {  	[timem:s3], [sflag:s2] =	dma.local @!p0 [hbm:s0], s1  }
0x45: {  	s0 =	simm.s32 @!p0 $0x2  }
0x46: {  	_ =	swait.ge @!p0 [sflag:s0], s1  }
0x47: {  	s1 =	ssub.s32 @!p0 $0x0, s1;
	[sflag:s0] =	ssyncset.done @!p0 $0x0  }
0x48: {  	[sflag:s0] =	ssyncadd.s32 @!p0 s1  }
0x49: {  	[bflag:$0x3] =	sbarrier.arrive $0xFFFF  }
0x4a: {  	_ =	shalt  }

// kernel: kernel.19.cloned.1.call-start
scs
__scs_entry_jumppad:
0x0: {  	(pc) =	sbr.rel $0x88, $3  }
0x1: {  	(tag) =	ssettag $0x0;
	lr =	simm.s32 $0x1  }
0x2: {  	[smem:$0x3F90] =	sst lr;
	_ =	strace $0xD0000000  }
0x3: {  	_ = 	snop  }
0x4: {  	_ = 	snop  }
0x5: {  	_ = 	snop  }
0x6: {  	_ = 	snop  }
0x7: {  	_ = 	snop  }
__scs_overlays_trampoline_lowered:
0x8: {  	[smem:$0x3F9F] =	sst s0  }
0x9: {  	[smem:$0x3FA0] =	sst s1  }
0xa: {  	[smem:$0x3FA1] =	sst s2  }
0xb: {  	[smem:$0x3FA2] =	sst s3  }
0xc: {  	[smem:$0x3FA3] =	sst s4  }
0xd: {  	[smem:$0x3FA4] =	sst s5  }
0xe: {  	[smem:$0x3FA5] =	sst s6  }
0xf: {  	[smem:$0x3FA6] =	sst s7  }
0x10: {  	[smem:$0x3FA7] =	sst s8  }
0x11: {  	[smem:$0x3FA8] =	sst s9;
	s0 =	simm.s32 @!p0 $0x0  }
0x12: {  	s1 =	sld [smem:$0x3F8E];
	s0 =	simm.s32 @p0 $0x1  }
0x13: {  	[smem:$0x3FA9] =	sst s0;
	s0 =	simm.s32 @!p1 $0x0  }
0x14: {  	s2 =	sld [smem:$0x3F8D];
	s0 =	simm.s32 @p1 $0x1  }
0x15: {  	[smem:$0x3FAA] =	sst s0;
	s0 =	simm.s32 @!p2 $0x0  }
0x16: {  	s3 =	sld [smem:$0x3FDB];
	s0 =	simm.s32 @p2 $0x1  }
0x17: {  	s4 =	simm.s32 $0x1BF5;
	[smem:$0x3FAC] =	sst s0  }
0x18: {  	s0 =	sld [smem:$0x3F8F];
	_ =	swait.ge [sflag:s4], $0x0  }
0x19: {  	s7 =	sld [smem:$0x3F90]  }
0x1a: {  	s8 =	sadd.s32 $0xFFFFE003, lr  }
0x1b: {  	s9 =	sadd.s32 $0xFFFFFEF7, lr;
	s5 =	simm.s32 $0xFFFFFFFF;
	p2 =	slt.u32 s8, $0xFFFFF086  }
0x1c: {  	p1 =	slt.u32 s9, $0xF7A;
	s5 =	simm.s32 @!p2 $0x0  }
0x1d: {  	s5 =	simm.s32 @p1 $0x1;
	p0 =	seq.s32 s7, s2  }
0x1e: {  	s7 =	smul.u32 @!p0 $0xF7A, s2;
	p2 =	seq.s32 @!p0 s5, $0x0  }
0x1f: {  	s9 =	smul.u32 $0xF7A, s1;
	s8 =	simm.s32 @!p0 $0x1BF5;
	p2 =	por !p2, p0  }
0x20: {  	[sflag:s8] =	ssyncset.s32 @!p0 $0xFFFFF086;
	s6 =	sadd.s32 @!p0 s3, s7;
	s7 =	simm.s32 @!p0 $0x108  }
0x21: {  	s3 =	sadd.s32 s3, s9;
	s6 =	sadd.s32 @!p0 $0x88, s6;
	s7 =	simm.s32 @p2 $0x1082  }
0x22: {  	[simem:s7], [sflag:s8] =	dma.local @!p0 [hbm:s6], $0xF7A  }
0x23: {  	s9 =	sor.u32 $0xD0000000, s2;
	s6 =	simm.s32 $0x108;
	_ =	swait.ge @!p0 [sflag:s8], $0x0  }
0x24: {  	s3 =	sadd.s32 $0x88, s3;
	s6 =	simm.s32 @!p1 $0x1082;
	[sflag:s4] =	ssyncset.s32 $0xFFFFF086  }
0x25: {  	[simem:s6], [sflag:s4] =	dma.local [hbm:s3], $0xF7A  }
0x26: {  	[smem:$0x3F90] =	sst s1;
	(tag) =	ssettag s2;
	_ =	strace s9  }
0x27: {  	s1 =	sld [smem:$0x3FA0]  }
0x28: {  	s2 =	sld [smem:$0x3FA1]  }
0x29: {  	s4 =	sld [smem:$0x3FA3]  }
0x2a: {  	p0 =	seq.s32 s5, $0x0;
	s5 =	sld [smem:$0x3FA4]  }
0x2b: {  	s6 =	sld [smem:$0x3FA5]  }
0x2c: {  	s7 =	sld [smem:$0x3FA6]  }
0x2d: {  	s3 =	simm.s32 $0x108;
	s8 =	sld [smem:$0x3FA7]  }
0x2e: {  	s3 =	simm.s32 @!p0 $0x1082;
	s9 =	sld [smem:$0x3FA8]  }
0x2f: {  	lr =	sadd.s32 s0, s3;
	s0 =	sld [smem:$0x3F9F]  }
0x30: {  	s3 =	sld [smem:$0x3FA2]  }
0x31: {  	[smem:$0x3FAB] =	sst s10  }
0x32: {  	s10 =	sld [smem:$0x3FA9];
	_ =	sdelay $0x3  }
0x33: {  	p0 =	seq.s32 s10, $0x1;
	s10 =	sld [smem:$0x3FAB];
	_ =	sdelay $0x3  }
0x34: {  	[smem:$0x3FAB] =	sst s10  }
0x35: {  	s10 =	sld [smem:$0x3FAA];
	_ =	sdelay $0x3  }
0x36: {  	p1 =	seq.s32 s10, $0x1;
	s10 =	sld [smem:$0x3FAB];
	_ =	sdelay $0x3  }
0x37: {  	[smem:$0x3FAB] =	sst s10  }
0x38: {  	s10 =	sld [smem:$0x3FAC]  }
0x39: {  	_ = 	snop;
	(pc) =	sbr.ind lr, $3  }
0x3a: {  	_ = 	snop  }
0x3b: {  	_ = 	snop  }
0x3c: {  	p2 =	seq.s32 s10, $0x1;
	s10 =	sld [smem:$0x3FAB]  }
0x3d: {  	_ =	shalt  }
0x3e: {  	_ =	shalt  }
0x3f: {  	_ =	shalt  }
0x40: {  	_ =	shalt  }
0x41: {  	_ =	shalt  }
0x42: {  	_ =	shalt  }
0x43: {  	_ =	shalt  }
0x44: {  	_ =	shalt  }
0x45: {  	_ =	shalt  }
0x46: {  	_ =	shalt  }
0x47: {  	_ =	shalt  }
0x48: {  	_ =	shalt  }
0x49: {  	_ =	shalt  }
0x4a: {  	_ =	shalt  }
0x4b: {  	_ =	shalt  }
0x4c: {  	_ =	shalt  }
0x4d: {  	_ =	shalt  }
0x4e: {  	_ =	shalt  }
0x4f: {  	_ =	shalt  }
0x50: {  	_ =	shalt  }
0x51: {  	_ =	shalt  }
0x52: {  	_ =	shalt  }
0x53: {  	_ =	shalt  }
0x54: {  	_ =	shalt  }
0x55: {  	_ =	shalt  }
0x56: {  	_ =	shalt  }
0x57: {  	_ =	shalt  }
0x58: {  	_ =	shalt  }
0x59: {  	_ =	shalt  }
0x5a: {  	_ =	shalt  }
0x5b: {  	_ =	shalt  }
0x5c: {  	_ =	shalt  }
0x5d: {  	_ =	shalt  }
0x5e: {  	_ =	shalt  }
0x5f: {  	_ =	shalt  }
0x60: {  	_ =	shalt  }
0x61: {  	_ =	shalt  }
0x62: {  	_ =	shalt  }
0x63: {  	_ =	shalt  }
0x64: {  	_ =	shalt  }
0x65: {  	_ =	shalt  }
0x66: {  	_ =	shalt  }
0x67: {  	_ =	shalt  }
0x68: {  	_ =	shalt  }
0x69: {  	_ =	shalt  }
0x6a: {  	_ =	shalt  }
0x6b: {  	_ =	shalt  }
0x6c: {  	_ =	shalt  }
0x6d: {  	_ =	shalt  }
0x6e: {  	_ =	shalt  }
0x6f: {  	_ =	shalt  }
0x70: {  	_ =	shalt  }
0x71: {  	_ =	shalt  }
0x72: {  	_ =	shalt  }
0x73: {  	_ =	shalt  }
0x74: {  	_ =	shalt  }
0x75: {  	_ =	shalt  }
0x76: {  	_ =	shalt  }
0x77: {  	_ =	shalt  }
0x78: {  	_ =	shalt  }
0x79: {  	_ =	shalt  }
0x7a: {  	_ =	shalt  }
0x7b: {  	_ =	shalt  }
0x7c: {  	_ =	shalt  }
0x7d: {  	_ =	shalt  }
0x7e: {  	_ =	shalt  }
0x7f: {  	_ =	shalt  }
0x80: {  	_ =	shalt  }
0x81: {  	_ =	shalt  }
0x82: {  	_ =	shalt  }
0x83: {  	_ =	shalt  }
0x84: {  	_ =	shalt  }
0x85: {  	_ =	shalt  }
0x86: {  	_ =	shalt  }
0x87: {  	_ =	shalt  }
.Lfunc_end0:
.L_simem_size_0:
called_computation.3_lowered:
.L_overlay_start_0:
0x88: {  	s2 =	sld [smem:$0x3FD9]  }
0x89: {  	s3 =	sld [smem:$0x3FFE];
	_ =	sdelay $0x1  }
0x8a: {  	s1 =	srdreg.scid  }
0x8b: {  	s0 =	sand.u32 $0x1, s1  }
0x8c: {  	s14 =	sshll.u32 s0, $0xA;
	s2 =	sadd.s32 s3, s2  }
0x8d: {  	s2 =	sadd.s32 s2, s14  }
0x8e: {  	[smem:$0x3FB7] =	sst s2  }
0x8f: {  	_ = 	snop  }
0x90: {  	s2 =	sld [smem:$0x3FD0];
	_ =	sdelay $0x2  }
0x91: {  	s4 =	simm.s32 $0xD;
	s5 =	simm.s32 $0x10;
	s15 =	sld [smem:$0x3FC9]  }
0x92: {  	[smem:s5], [sflag:s4] =	dma.local [hbm:s2], $0x1  }
0x93: {  	_ =	swait.eq [sflag:s4], $0x1  }
0x94: {  	[sflag:s4] =	ssyncset.done $0x0  }
0x95: {  	[sflag:s4] =	ssyncadd.s32 $0xFFFFFFFF  }
0x96: {  	s16 =	sld [smem:$0x11];
	(tm) =	ssettm $0x1  }
0x97: {  	s17 =	sld [smem:$0x3FFB];
	_ =	sdelay $0x3  }
0x98: {  	_ =	strace s17  }
0x99: {  	s4 =	sld [smem:$0x3FFC];
	_ =	sdelay $0x3  }
0x9a: {  	_ =	strace s4  }
0x9b: {  	s4 =	sld [smem:$0x3FFD];
	_ =	sdelay $0x3  }
0x9c: {  	_ =	strace s4  }
0x9d: {  	_ =	strace $0x8FFFFFFF  }
0x9e: {  	s18 =	sld [smem:$0x3FDB];
	_ =	sdelay $0x1  }
0x9f: {  	s19 =	simm.s32 $_scs_section_size  }
0xa0: {  	s6 =	simm.s32 $_size__tile_overlayer_lowered;
	s7 =	simm.s32 $_tile_overlayer_lowered  }
0xa1: {  	s22 =	simm.s32 $0x1BFF;
	s21 =	sshll.u32 s7, $0x1;
	s4 =	sadd.s32 s19, s18  }
0xa2: {  	s8 =	simm.s32 $0x0;
	s20 =	sshll.u32 s6, $0x1;
	s6 =	sadd.s32 s21, s4  }
0xa3: {  	[timem:s8], [sflag:s22] =	dma.local [hbm:s6], s20  }
0xa4: {  	_ =	swait.ge [sflag:s22], s20  }
0xa5: {  	s5 =	ssub.s32 $0x0, s20;
	[sflag:s22] =	ssyncset.done $0x0  }
0xa6: {  	[sflag:s22] =	ssyncadd.s32 s5;
	_ =	sdelay $0x1  }
0xa7: {  	s23 =	simm.s32 $0x1B8B  }
0xa8: {  	_ =	swait.ge [sflag:s23], $0x1  }
0xa9: {  	[sflag:s23] =	ssyncset.done $0x0  }
0xaa: {  	s25 =	simm.s32 $0x1B8E;
	s24 =	sld [smem:$0x3FFE];
	[sflag:s23] =	ssyncadd.s32 $0xFFFFFFFF  }
0xab: {  	s26 =	simm.s32 $execute0_lowered;
	[smem:$0x3FD2] =	sst s25  }
0xac: {  	s6 =	sshll.u32 s26, $0x1;
	_ =	strace $0x80000046;
	[dreg:$0x1] =	wrdreg $0xFFFFFFFF  }
0xad: {  	s28 =	simm.s32 $_size_execute0_lowered;
	s4 =	sadd.s32 s4, s6;
	[dreg:$0x0] =	wrdreg $0x0  }
0xae: {  	s6 =	sshll.u32 s28, $0x1;
	[dreg:$0x2] =	wrdreg s4  }
0xaf: {  	[dreg:$0x3] =	wrdreg s6  }
0xb0: {  	[dreg:$0x4] =	wrdreg $0xC0  }
0xb1: {  	_ =	task [dreg:s8], $0x5FFFF  }
0xb2: {  	[dreg:$0x1] =	wrdreg $0xFFFFFFFF  }
0xb3: {  	[dreg:$0x0] =	wrdreg $0x60  }
0xb4: {  	[dreg:$0x2] =	wrdreg s15  }
0xb5: {  	[dreg:$0x3] =	wrdreg s16  }
0xb6: {  	[dreg:$0x4] =	wrdreg s24  }
0xb7: {  	[dreg:$0x5] =	wrdreg $0x90000  }
0xb8: {  	[dreg:$0x6] =	wrdreg $0xC  }
0xb9: {  	_ =	task.clear_ibuf [dreg:s8], $0x7FFFF;
	_ =	strace $0x90000046  }
0xba: {  	s29 =	simm.s32 $0xC;
	_ =	strace $0x80000048  }
0xbb: {  	_ =	swait.ge [sflag:s29], $0x1  }
0xbc: {  	[sflag:s29] =	ssyncadd.s32 $0xFFFFFFFF  }
0xbd: {  	_ =	strace $0x90000048  }
0xbe: {  	_ =	sfence  }
0xbf: {  	s30 =	sld [smem:$0x0];
	_ =	sdelay $0x2  }
0xc0: {  	s31 =	sshll.u32 s1, $0xD;
	s1 =	sshrl.u32 s1, $0x2  }
0xc1: {  	s3 =	sand.u32 $0x4000, s31;
	s1 =	sadd.s32 s1, s30  }
0xc2: {  	s0 =	sor.u32 s3, s0;
	s1 =	sshll.u32 s1, $0x11  }
0xc3: {  	s0 =	sor.u32 s1, s0  }
0xc4: {  	s0 =	sadd.s32 $0x8F2B, s0  }
0xc5: {  	[sflag:s0] =	ssyncadd.remote.s32 $0x1  }
0xc6: {  	_ =	sfence.sel $0xFFFF  }
0xc7: {  	[dreg:$0x0] =	wrdreg $0xFFFFFFFF;
	(pc) =	sbr.abs _section_cstart, $3  }
0xc8: {  	[dreg:$0x1] =	wrdreg $0xFFFFFFFF  }
0xc9: {  	_ =	task.clear_ibuf [dreg:s8], $0x2FFFF;
	_ =	strace $0x9FFFFFFF  }
0xca: {  	(tm) =	ssettm $0x7FFFFFFF  }
0xcb: {  	_ =	shalt  }
tec
execute0_lowered:
.L_overlay_start_1:
0x0: {  	(tag) =	ssettag $0x1  }
0x1: {  	s1 =	rddreg [dreg:$0x0]  }
0x2: {  	s6 =	rddreg [dreg:$0x1]  }
0x3: {  	s2 =	srdreg.scid;
	s7 =	rddreg [dreg:$0x2]  }
0x4: {  	s0 =	stileid.u32;
	s3 =	rddreg [dreg:$0x3];
	s4 =	simm.s32 $0x0  }
0x5: {  	s14 =	simm.s32 $0x80;
	s15 =	simm.s32 $0x5000;
	s16 =	simm.s32 $0x1  }
0x6: {  	s17 =	simm.s32 $0x0;
	s5 =	sand.u32 $0x1, s2;
	s10 =	smul.u32 $0x14000, s0  }
0x7: {  	s28 =	sshll.u32 s0, $0x1;
	[smem:$0x7FF] =	sst s4;
	s13 =	smul.u32 $0x50000, s0  }
0x8: {  	s31 =	sshll.u32 s0, $0x6;
	s2 =	sor.u32 s5, s28;
	s9 =	smul.u32 $0x140000, s5  }
0x9: {  	s29 =	ssub.s32 $0x2, s5;
	s5 =	sadd.s32 $0xD400, s7;
	s8 =	smul.u32 $0x500, s2  }
0xa: {  	s2 =	rddreg [dreg:$0x4];
	_ =	strace $0x80000047;
	s12 =	sshrl.u32 s29, $0x1  }
0xb: {  	s30 =	sshrl.u32 s13, $0x2;
	s9 =	sadd.s32 s10, s9;
	s10 =	ssub.s32 s29, s12  }
0xc: {  	s13 =	sadd.s32 s30, s3;
	s12 =	sor.u32 $0x1C02, s31;
	s11 =	sadd.s32 s8, s7  }
0xd: {  	s9 =	sshrl.u32 s9, $0x3;
	s6 =	sadd.s32 s6, s8;
	s13 =	sshrl.u32 s13, $0x3  }
0xe: {  	s9 =	sadd.s32 s9, s7;
	s7 =	sadd.s32 $0x3400, s11;
	s11 =	simm.s32 $0x2800  }
0xf: {  	s8 =	sadd.s32 $0xFC00, s9;
	s9 =	smax.u32 s10, $0x1;
	s10 =	simm.s32 $0x2  }
.LBB2_1:
0x10: {  	[tilespmem:s4], [sflag:$0x2] =	stream.linear.gather [hbm4b:s6+s4], $0x2800, $0x38;
	[tilespmem:$0x1D000] =	vst v63  }
0x11: {  	_ =	swait.ge [sflag:s10], $0x2800  }
0x12: {  	[sflag:s10] =	ssyncset.done $0x0  }
0x13: {  	[sflag:s10] =	ssyncadd.s32 $0xFFFFD800  }
0x14: {  	[tilespmem:s11], [sflag:$0x2] =	stream.linear.gather [hbm4b:s7+s4], $0x2800, $0x38;
	[tilespmem:$0x1D000] =	vst v63  }
0x15: {  	_ =	swait.ge [sflag:s10], $0x2800  }
0x16: {  	[sflag:s10] =	ssyncset.done $0x0  }
0x17: {  	[sflag:s10] =	ssyncadd.s32 $0xFFFFD800  }
0x18: {  	[spmem:s13], [sflag:s12] =	dma.local [hbm:s5], $0x2800  }
0x19: {  	_ =	swait.ge [sflag:s10], $0x2800  }
0x1a: {  	[sflag:s10] =	ssyncset.done $0x0  }
0x1b: {  	[sflag:s10] =	ssyncadd.s32 $0xFFFFD800  }
0x1c: {  	s18 =	simm.s32 $0x0;
	[bflag:$0x0] =	sbarrier.arrive $0xFFFF  }
0x1d: {  	[tilespmem:s15], [sflag:$0x1] =	stream.indirect.gather [hbm4b:s1+s14], $0x80, s18, s14, $0xb8;
	[tilespmem:$0x1D000] =	vst v63  }
0x1e: {  	_ =	swait.ge [sflag:s16], $0x4000  }
0x1f: {  	[sflag:s16] =	ssyncset.done $0x0  }
0x20: {  	s31 =	simm.s32 $0x2800;
	[sflag:s16] =	ssyncadd.s32 $0xFFFFC000  }
0x21: {  	[spmem:s3] =	stream.indirect.scatter.add.f32 [tilespmem:s15], [sflag:$0x2], $0x80, s31, s14, $0xb8;
	[tilespmem:$0x1D000] =	vst v63  }
0x22: {  	_ =	swait.ge [sflag:s10], $0x4000  }
0x23: {  	s19 =	simm.s32 $0x400;
	s18 =	simm.s32 $0x200;
	[sflag:s10] =	ssyncset.done $0x0  }
.LBB2_2:
0x24: {  	s20 =	sshra.s32 s18, $0x2  }
0x25: {  	[sflag:s10] =	ssyncadd.s32 $0xFFFFC000;
	s18 =	smov.u32 s19;
	s21 =	sadd.s32 $0x200, s19  }
0x26: {  	[tilespmem:s15], [sflag:$0x1] =	stream.indirect.gather [hbm4b:s1+s14], $0x80, s20, s14, $0xb8;
	[tilespmem:$0x1D000] =	vst v63  }
0x27: {  	p0 =	sne.s32 s19, $0x9E00;
	_ =	swait.ge [sflag:s16], $0x4000  }
.Ltmp0:
0x28: {  	[sflag:s16] =	ssyncset.done $0x0;
	(pc) =	sbr.rel @p0 .LBB2_2-.Ltmp0, $4  }
0x29: {  	s19 =	sadd.s32 $0x2800, s20;
	[sflag:s16] =	ssyncadd.s32 $0xFFFFC000  }
0x2a: {  	[spmem:s3] =	stream.indirect.scatter.add.f32 [tilespmem:s15], [sflag:$0x2], $0x80, s19, s14, $0xb8;
	[tilespmem:$0x1D000] =	vst v63  }
0x2b: {  	_ =	swait.ge [sflag:s10], $0x4000  }
0x2c: {  	s19 =	smov.u32 s21;
	[sflag:s10] =	ssyncset.done $0x0  }
0x2d: {  	s18 =	sshra.s32 s18, $0x2;
	[sflag:s10] =	ssyncadd.s32 $0xFFFFC000  }
0x2e: {  	[tilespmem:s15], [sflag:$0x1] =	stream.indirect.gather [hbm4b:s1+s14], $0x80, s18, s14, $0xb8;
	[tilespmem:$0x1D000] =	vst v63  }
0x2f: {  	_ =	swait.ge [sflag:s16], $0x4000  }
0x30: {  	[sflag:s16] =	ssyncset.done $0x0  }
0x31: {  	s18 =	sadd.s32 $0x2800, s18;
	[sflag:s16] =	ssyncadd.s32 $0xFFFFC000  }
0x32: {  	[spmem:s3] =	stream.indirect.scatter.add.f32 [tilespmem:s15], [sflag:$0x2], $0x80, s18, s14, $0xb8;
	[tilespmem:$0x1D000] =	vst v63  }
0x33: {  	_ =	swait.ge [sflag:s10], $0x4000  }
0x34: {  	s17 =	sadd.s32 $0x1, s17;
	[sflag:s10] =	ssyncset.done $0x0  }
0x35: {  	p0 =	sne.s32 s17, s9;
	[sflag:s10] =	ssyncadd.s32 $0xFFFFC000  }
.Ltmp1:
0x36: {  	[bflag:$0x0] =	sbarrier.arrive $0xFFFF;
	(pc) =	sbr.rel @p0 .LBB2_1-.Ltmp1, $4  }
0x37: {  	[hbm:s8], [sflag:s12] =	dma.local [spmem:s13], $0x2800  }
0x38: {  	_ =	swait.ge [sflag:s10], $0x2800  }
0x39: {  	[sflag:s10] =	ssyncset.done $0x0  }
0x3a: {  	[sflag:s10] =	ssyncadd.s32 $0xFFFFD800  }
0x3b: {  	_ =	sfence.sel $0x180000  }
0x3c: {  	[bflag:$0x0] =	sbarrier.arrive $0xFFFF  }
0x3d: {  	p0 =	sne.s32 s0, $0x0;
	_ =	strace $0x90000047  }
0x3e: {  	s0 =	sadd.s32 @!p0 $0x100000, s2;
	[bflag:$0x2] =	sbarrier.arrive $0xFFFF  }
0x3f: {  	[sflag:s0] =	ssyncadd.tile.s32 @!p0 $0x1;
	_ =	shalt  }
.Lfunc_end2:
_tile_overlayer_lowered:
.L_overlay_start_2:
0x40: {  	(tag) =	ssettag $0x2  }
0x41: {  	s0 =	rddreg [dreg:$0x0];
	s2 =	stileid.u32  }
0x42: {  	s1 =	rddreg [dreg:$0x1];
	p0 =	sne.s32 s2, $0x0  }
0x43: {  	s3 =	rddreg [dreg:$0x2];
	[bflag:$0x3] =	sbarrier.arrive $0xFFFF;
	s2 =	simm.s32 @!p0 $0x1C02  }
0x44: {  	[timem:s3], [sflag:s2] =	dma.local @!p0 [hbm:s0], s1  }
0x45: {  	s0 =	simm.s32 @!p0 $0x2  }
0x46: {  	_ =	swait.ge @!p0 [sflag:s0], s1  }
0x47: {  	s1 =	ssub.s32 @!p0 $0x0, s1;
	[sflag:s0] =	ssyncset.done @!p0 $0x0  }
0x48: {  	[sflag:s0] =	ssyncadd.s32 @!p0 s1  }
0x49: {  	[bflag:$0x3] =	sbarrier.arrive $0xFFFF  }
0x4a: {  	_ =	shalt  }

// kernel: kernel.22.cloned.1.call-start
scs
__scs_entry_jumppad:
0x0: {  	(pc) =	sbr.rel $0x88, $3  }
0x1: {  	(tag) =	ssettag $0x0;
	lr =	simm.s32 $0x1  }
0x2: {  	[smem:$0x3F90] =	sst lr;
	_ =	strace $0xD0000000  }
0x3: {  	_ = 	snop  }
0x4: {  	_ = 	snop  }
0x5: {  	_ = 	snop  }
0x6: {  	_ = 	snop  }
0x7: {  	_ = 	snop  }
__scs_overlays_trampoline_lowered:
0x8: {  	[smem:$0x3F9F] =	sst s0  }
0x9: {  	[smem:$0x3FA0] =	sst s1  }
0xa: {  	[smem:$0x3FA1] =	sst s2  }
0xb: {  	[smem:$0x3FA2] =	sst s3  }
0xc: {  	[smem:$0x3FA3] =	sst s4  }
0xd: {  	[smem:$0x3FA4] =	sst s5  }
0xe: {  	[smem:$0x3FA5] =	sst s6  }
0xf: {  	[smem:$0x3FA6] =	sst s7  }
0x10: {  	[smem:$0x3FA7] =	sst s8  }
0x11: {  	[smem:$0x3FA8] =	sst s9;
	s0 =	simm.s32 @!p0 $0x0  }
0x12: {  	s1 =	sld [smem:$0x3F8E];
	s0 =	simm.s32 @p0 $0x1  }
0x13: {  	[smem:$0x3FA9] =	sst s0;
	s0 =	simm.s32 @!p1 $0x0  }
0x14: {  	s2 =	sld [smem:$0x3F8D];
	s0 =	simm.s32 @p1 $0x1  }
0x15: {  	[smem:$0x3FAA] =	sst s0;
	s0 =	simm.s32 @!p2 $0x0  }
0x16: {  	s3 =	sld [smem:$0x3FDB];
	s0 =	simm.s32 @p2 $0x1  }
0x17: {  	s4 =	simm.s32 $0x1BF5;
	[smem:$0x3FAC] =	sst s0  }
0x18: {  	s0 =	sld [smem:$0x3F8F];
	_ =	swait.ge [sflag:s4], $0x0  }
0x19: {  	s7 =	sld [smem:$0x3F90]  }
0x1a: {  	s8 =	sadd.s32 $0xFFFFE003, lr  }
0x1b: {  	s9 =	sadd.s32 $0xFFFFFEF7, lr;
	s5 =	simm.s32 $0xFFFFFFFF;
	p2 =	slt.u32 s8, $0xFFFFF086  }
0x1c: {  	p1 =	slt.u32 s9, $0xF7A;
	s5 =	simm.s32 @!p2 $0x0  }
0x1d: {  	s5 =	simm.s32 @p1 $0x1;
	p0 =	seq.s32 s7, s2  }
0x1e: {  	s7 =	smul.u32 @!p0 $0xF7A, s2;
	p2 =	seq.s32 @!p0 s5, $0x0  }
0x1f: {  	s9 =	smul.u32 $0xF7A, s1;
	s8 =	simm.s32 @!p0 $0x1BF5;
	p2 =	por !p2, p0  }
0x20: {  	[sflag:s8] =	ssyncset.s32 @!p0 $0xFFFFF086;
	s6 =	sadd.s32 @!p0 s3, s7;
	s7 =	simm.s32 @!p0 $0x108  }
0x21: {  	s3 =	sadd.s32 s3, s9;
	s6 =	sadd.s32 @!p0 $0x88, s6;
	s7 =	simm.s32 @p2 $0x1082  }
0x22: {  	[simem:s7], [sflag:s8] =	dma.local @!p0 [hbm:s6], $0xF7A  }
0x23: {  	s9 =	sor.u32 $0xD0000000, s2;
	s6 =	simm.s32 $0x108;
	_ =	swait.ge @!p0 [sflag:s8], $0x0  }
0x24: {  	s3 =	sadd.s32 $0x88, s3;
	s6 =	simm.s32 @!p1 $0x1082;
	[sflag:s4] =	ssyncset.s32 $0xFFFFF086  }
0x25: {  	[simem:s6], [sflag:s4] =	dma.local [hbm:s3], $0xF7A  }
0x26: {  	[smem:$0x3F90] =	sst s1;
	(tag) =	ssettag s2;
	_ =	strace s9  }
0x27: {  	s1 =	sld [smem:$0x3FA0]  }
0x28: {  	s2 =	sld [smem:$0x3FA1]  }
0x29: {  	s4 =	sld [smem:$0x3FA3]  }
0x2a: {  	p0 =	seq.s32 s5, $0x0;
	s5 =	sld [smem:$0x3FA4]  }
0x2b: {  	s6 =	sld [smem:$0x3FA5]  }
0x2c: {  	s7 =	sld [smem:$0x3FA6]  }
0x2d: {  	s3 =	simm.s32 $0x108;
	s8 =	sld [smem:$0x3FA7]  }
0x2e: {  	s3 =	simm.s32 @!p0 $0x1082;
	s9 =	sld [smem:$0x3FA8]  }
0x2f: {  	lr =	sadd.s32 s0, s3;
	s0 =	sld [smem:$0x3F9F]  }
0x30: {  	s3 =	sld [smem:$0x3FA2]  }
0x31: {  	[smem:$0x3FAB] =	sst s10  }
0x32: {  	s10 =	sld [smem:$0x3FA9];
	_ =	sdelay $0x3  }
0x33: {  	p0 =	seq.s32 s10, $0x1;
	s10 =	sld [smem:$0x3FAB];
	_ =	sdelay $0x3  }
0x34: {  	[smem:$0x3FAB] =	sst s10  }
0x35: {  	s10 =	sld [smem:$0x3FAA];
	_ =	sdelay $0x3  }
0x36: {  	p1 =	seq.s32 s10, $0x1;
	s10 =	sld [smem:$0x3FAB];
	_ =	sdelay $0x3  }
0x37: {  	[smem:$0x3FAB] =	sst s10  }
0x38: {  	s10 =	sld [smem:$0x3FAC]  }
0x39: {  	_ = 	snop;
	(pc) =	sbr.ind lr, $3  }
0x3a: {  	_ = 	snop  }
0x3b: {  	_ = 	snop  }
0x3c: {  	p2 =	seq.s32 s10, $0x1;
	s10 =	sld [smem:$0x3FAB]  }
0x3d: {  	_ =	shalt  }
0x3e: {  	_ =	shalt  }
0x3f: {  	_ =	shalt  }
0x40: {  	_ =	shalt  }
0x41: {  	_ =	shalt  }
0x42: {  	_ =	shalt  }
0x43: {  	_ =	shalt  }
0x44: {  	_ =	shalt  }
0x45: {  	_ =	shalt  }
0x46: {  	_ =	shalt  }
0x47: {  	_ =	shalt  }
0x48: {  	_ =	shalt  }
0x49: {  	_ =	shalt  }
0x4a: {  	_ =	shalt  }
0x4b: {  	_ =	shalt  }
0x4c: {  	_ =	shalt  }
0x4d: {  	_ =	shalt  }
0x4e: {  	_ =	shalt  }
0x4f: {  	_ =	shalt  }
0x50: {  	_ =	shalt  }
0x51: {  	_ =	shalt  }
0x52: {  	_ =	shalt  }
0x53: {  	_ =	shalt  }
0x54: {  	_ =	shalt  }
0x55: {  	_ =	shalt  }
0x56: {  	_ =	shalt  }
0x57: {  	_ =	shalt  }
0x58: {  	_ =	shalt  }
0x59: {  	_ =	shalt  }
0x5a: {  	_ =	shalt  }
0x5b: {  	_ =	shalt  }
0x5c: {  	_ =	shalt  }
0x5d: {  	_ =	shalt  }
0x5e: {  	_ =	shalt  }
0x5f: {  	_ =	shalt  }
0x60: {  	_ =	shalt  }
0x61: {  	_ =	shalt  }
0x62: {  	_ =	shalt  }
0x63: {  	_ =	shalt  }
0x64: {  	_ =	shalt  }
0x65: {  	_ =	shalt  }
0x66: {  	_ =	shalt  }
0x67: {  	_ =	shalt  }
0x68: {  	_ =	shalt  }
0x69: {  	_ =	shalt  }
0x6a: {  	_ =	shalt  }
0x6b: {  	_ =	shalt  }
0x6c: {  	_ =	shalt  }
0x6d: {  	_ =	shalt  }
0x6e: {  	_ =	shalt  }
0x6f: {  	_ =	shalt  }
0x70: {  	_ =	shalt  }
0x71: {  	_ =	shalt  }
0x72: {  	_ =	shalt  }
0x73: {  	_ =	shalt  }
0x74: {  	_ =	shalt  }
0x75: {  	_ =	shalt  }
0x76: {  	_ =	shalt  }
0x77: {  	_ =	shalt  }
0x78: {  	_ =	shalt  }
0x79: {  	_ =	shalt  }
0x7a: {  	_ =	shalt  }
0x7b: {  	_ =	shalt  }
0x7c: {  	_ =	shalt  }
0x7d: {  	_ =	shalt  }
0x7e: {  	_ =	shalt  }
0x7f: {  	_ =	shalt  }
0x80: {  	_ =	shalt  }
0x81: {  	_ =	shalt  }
0x82: {  	_ =	shalt  }
0x83: {  	_ =	shalt  }
0x84: {  	_ =	shalt  }
0x85: {  	_ =	shalt  }
0x86: {  	_ =	shalt  }
0x87: {  	_ =	shalt  }
.Lfunc_end0:
.L_simem_size_0:
called_computation.4_lowered:
.L_overlay_start_0:
0x88: {  	s2 =	sld [smem:$0x3FD9]  }
0x89: {  	s3 =	sld [smem:$0x3FFE];
	_ =	sdelay $0x1  }
0x8a: {  	s1 =	srdreg.scid  }
0x8b: {  	s0 =	sand.u32 $0x1, s1  }
0x8c: {  	s15 =	sshll.u32 s0, $0xA;
	s2 =	sadd.s32 s3, s2  }
0x8d: {  	s2 =	sadd.s32 s2, s15  }
0x8e: {  	[smem:$0x3FB7] =	sst s2  }
0x8f: {  	_ = 	snop  }
0x90: {  	s2 =	sld [smem:$0x3FD0];
	_ =	sdelay $0x2  }
0x91: {  	s16 =	simm.s32 $0xD;
	s4 =	simm.s32 $0x10  }
0x92: {  	[smem:s4], [sflag:s16] =	dma.local [hbm:s2], $0x1  }
0x93: {  	_ =	swait.eq [sflag:s16], $0x1  }
0x94: {  	[sflag:s16] =	ssyncset.done $0x0  }
0x95: {  	[sflag:s16] =	ssyncadd.s32 $0xFFFFFFFF  }
0x96: {  	s17 =	sld [smem:$0x10];
	(tm) =	ssettm $0x1  }
0x97: {  	s18 =	sld [smem:$0x3FFB];
	_ =	sdelay $0x3  }
0x98: {  	_ =	strace s18  }
0x99: {  	s2 =	sld [smem:$0x3FFC];
	_ =	sdelay $0x3  }
0x9a: {  	_ =	strace s2  }
0x9b: {  	s2 =	sld [smem:$0x3FFD];
	_ =	sdelay $0x3  }
0x9c: {  	_ =	strace s2  }
0x9d: {  	_ =	strace $0x8FFFFFFF  }
0x9e: {  	s19 =	sld [smem:$0x3FDB];
	_ =	sdelay $0x1  }
0x9f: {  	s20 =	simm.s32 $_scs_section_size  }
0xa0: {  	s5 =	simm.s32 $_size__tile_overlayer_lowered;
	s6 =	simm.s32 $_tile_overlayer_lowered  }
0xa1: {  	s7 =	simm.s32 $0x1BFF;
	s21 =	sshll.u32 s6, $0x1;
	s4 =	sadd.s32 s20, s19  }
0xa2: {  	s22 =	simm.s32 $0x0;
	s5 =	sshll.u32 s5, $0x1;
	s6 =	sadd.s32 s21, s4  }
0xa3: {  	[timem:s22], [sflag:s7] =	dma.local [hbm:s6], s5  }
0xa4: {  	_ =	swait.ge [sflag:s7], s5  }
0xa5: {  	s5 =	ssub.s32 $0x0, s5;
	[sflag:s7] =	ssyncset.done $0x0  }
0xa6: {  	[sflag:s7] =	ssyncadd.s32 s5;
	_ =	sdelay $0x1  }
0xa7: {  	s23 =	simm.s32 $0x1B8B  }
0xa8: {  	_ =	swait.ge [sflag:s23], $0x1  }
0xa9: {  	[sflag:s23] =	ssyncset.done $0x0  }
0xaa: {  	[sflag:s23] =	ssyncadd.s32 $0xFFFFFFFF  }
0xab: {  	s5 =	sld [smem:$0x0]  }
0xac: {  	s6 =	sand.u32 $0xFFFFFFFE, s1  }
0xad: {  	p0 =	sne.s32 s1, s6  }
0xae: {  	s6 =	sshll.u32 @p0 s6, $0xE  }
0xaf: {  	s6 =	sadd.s32 @p0 $0x11B8D, s6;
	s7 =	sshll.u32 @p0 s5, $0x11  }
0xb0: {  	s6 =	sor.u32 @p0 s7, s6  }
0xb1: {  	[sflag:s6] =	ssyncadd.remote.s32 @p0 $0x1;
	_ =	sdelay $0x1  }
0xb2: {  	s6 =	simm.s32 @p0 $0x1B8D  }
0xb3: {  	_ =	swait.eq @p0 [sflag:s6], $0x1  }
0xb4: {  	[sflag:s6] =	ssyncadd.s32 @p0 $0xFFFFFFFF  }
0xb5: {  	s7 =	sshll.u32 @!p0 s1, $0xE  }
0xb6: {  	s7 =	sor.u32 @!p0 $0x4000, s7;
	s6 =	simm.s32 @!p0 $0x1B8D  }
0xb7: {  	s5 =	sshll.u32 @!p0 s5, $0x11;
	s7 =	sadd.s32 @!p0 $0x11B8D, s7;
	_ =	swait.eq @!p0 [sflag:s6], $0x1  }
0xb8: {  	s5 =	sor.u32 @!p0 s5, s7;
	[sflag:s6] =	ssyncadd.s32 @!p0 $0xFFFFFFFF  }
0xb9: {  	s25 =	simm.s32 $0x1B8E;
	s24 =	sld [smem:$0x3FFE];
	[sflag:s5] =	ssyncadd.remote.s32 @!p0 $0x1  }
0xba: {  	s26 =	simm.s32 $execute0_lowered;
	[smem:$0x3FD2] =	sst s25  }
0xbb: {  	s6 =	sshll.u32 s26, $0x1;
	_ =	strace $0x80000052;
	[dreg:$0x1] =	wrdreg $0xFFFFFFFF  }
0xbc: {  	s28 =	simm.s32 $_size_execute0_lowered;
	s4 =	sadd.s32 s4, s6;
	[dreg:$0x0] =	wrdreg $0x0  }
0xbd: {  	s6 =	sshll.u32 s28, $0x1;
	[dreg:$0x2] =	wrdreg s4  }
0xbe: {  	[dreg:$0x3] =	wrdreg s6  }
0xbf: {  	[dreg:$0x4] =	wrdreg $0xC0  }
0xc0: {  	_ =	task [dreg:s22], $0x5FFFF  }
0xc1: {  	[dreg:$0x1] =	wrdreg $0xFFFFFFFF  }
0xc2: {  	[dreg:$0x0] =	wrdreg $0x60  }
0xc3: {  	[dreg:$0x2] =	wrdreg s24  }
0xc4: {  	[dreg:$0x3] =	wrdreg s17  }
0xc5: {  	[dreg:$0x4] =	wrdreg $0x90000  }
0xc6: {  	[dreg:$0x5] =	wrdreg $0xB  }
0xc7: {  	_ =	task.clear_ibuf [dreg:s22], $0x6FFFF;
	_ =	strace $0x90000052  }
0xc8: {  	s29 =	simm.s32 $0xB;
	_ =	strace $0x80000054  }
0xc9: {  	_ =	swait.ge [sflag:s29], $0x1  }
0xca: {  	[sflag:s29] =	ssyncadd.s32 $0xFFFFFFFF  }
0xcb: {  	_ =	strace $0x90000054  }
0xcc: {  	_ =	sfence  }
0xcd: {  	s30 =	sld [smem:$0x0];
	_ =	sdelay $0x2  }
0xce: {  	s31 =	sshll.u32 s1, $0xD;
	s1 =	sshrl.u32 s1, $0x2  }
0xcf: {  	s4 =	sand.u32 $0x4000, s31;
	s1 =	sadd.s32 s1, s30  }
0xd0: {  	s0 =	sor.u32 s4, s0;
	s1 =	sshll.u32 s1, $0x11  }
0xd1: {  	s0 =	sor.u32 s1, s0  }
0xd2: {  	s0 =	sadd.s32 $0x8F2B, s0  }
0xd3: {  	[sflag:s0] =	ssyncadd.remote.s32 $0x1  }
0xd4: {  	_ =	sfence.sel $0xFFFF  }
0xd5: {  	[dreg:$0x0] =	wrdreg $0xFFFFFFFF;
	(pc) =	sbr.abs _section_cstart, $3  }
0xd6: {  	[dreg:$0x1] =	wrdreg $0xFFFFFFFF  }
0xd7: {  	_ =	task.clear_ibuf [dreg:s22], $0x2FFFF;
	_ =	strace $0x9FFFFFFF  }
0xd8: {  	(tm) =	ssettm $0x7FFFFFFF  }
0xd9: {  	_ =	shalt  }
tec
execute0_lowered:
.L_overlay_start_1:
0x0: {  	(tag) =	ssettag $0x1  }
0x1: {  	s1 =	srdreg.scid;
	s6 =	rddreg [dreg:$0x0]  }
0x2: {  	s0 =	stileid.u32;
	s7 =	rddreg [dreg:$0x1]  }
0x3: {  	s2 =	rddreg [dreg:$0x2];
	s3 =	simm.s32 $0x0;
	s14 =	simm.s32 $0x80  }
0x4: {  	s15 =	simm.s32 $0x5000;
	s16 =	simm.s32 $0x1;
	s17 =	simm.s32 $0x0  }
0x5: {  	s5 =	sand.u32 $0x1, s1;
	s28 =	sshll.u32 s0, $0x1;
	s10 =	smul.u32 $0x14000, s0  }
0x6: {  	[smem:$0x7FF] =	sst s3;
	s4 =	sadd.s32 $0xFC00, s6;
	s13 =	smul.u32 $0x50000, s0  }
0x7: {  	s31 =	sshll.u32 s0, $0x6;
	s1 =	sor.u32 s5, s28;
	s9 =	smul.u32 $0x140000, s5  }
0x8: {  	s29 =	ssub.s32 $0x2, s5;
	s5 =	sadd.s32 $0xD400, s6;
	s8 =	smul.u32 $0x500, s1  }
0x9: {  	s1 =	rddreg [dreg:$0x3];
	_ =	strace $0x80000053;
	s12 =	sshrl.u32 s29, $0x1  }
0xa: {  	s30 =	sshrl.u32 s13, $0x2;
	s9 =	sadd.s32 s10, s9;
	s10 =	ssub.s32 s29, s12  }
0xb: {  	s13 =	sadd.s32 s30, s2;
	s12 =	sor.u32 $0x1C02, s31;
	s11 =	sadd.s32 s8, s6  }
0xc: {  	s9 =	sshrl.u32 s9, $0x3;
	s7 =	sadd.s32 s7, s8;
	s13 =	sshrl.u32 s13, $0x3  }
0xd: {  	s9 =	sadd.s32 s9, s6;
	s6 =	sadd.s32 $0xB0400, s11;
	s11 =	simm.s32 $0x2800  }
0xe: {  	s8 =	sadd.s32 $0x60400, s9;
	s9 =	smax.u32 s10, $0x1;
	s10 =	simm.s32 $0x2  }
.LBB2_1:
0xf: {  	[tilespmem:s3], [sflag:$0x2] =	stream.linear.gather [hbm4b:s6+s3], $0x2800, $0x38;
	[tilespmem:$0x1D000] =	vst v63  }
0x10: {  	_ =	swait.ge [sflag:s10], $0x2800  }
0x11: {  	[sflag:s10] =	ssyncset.done $0x0  }
0x12: {  	[sflag:s10] =	ssyncadd.s32 $0xFFFFD800  }
0x13: {  	[tilespmem:s11], [sflag:$0x2] =	stream.linear.gather [hbm4b:s7+s3], $0x2800, $0x38;
	[tilespmem:$0x1D000] =	vst v63  }
0x14: {  	_ =	swait.ge [sflag:s10], $0x2800  }
0x15: {  	[sflag:s10] =	ssyncset.done $0x0  }
0x16: {  	[sflag:s10] =	ssyncadd.s32 $0xFFFFD800  }
0x17: {  	[spmem:s13], [sflag:s12] =	dma.local [hbm:s5], $0x2800  }
0x18: {  	_ =	swait.ge [sflag:s10], $0x2800  }
0x19: {  	[sflag:s10] =	ssyncset.done $0x0  }
0x1a: {  	[sflag:s10] =	ssyncadd.s32 $0xFFFFD800  }
0x1b: {  	s18 =	simm.s32 $0x0;
	[bflag:$0x0] =	sbarrier.arrive $0xFFFF  }
0x1c: {  	[tilespmem:s15], [sflag:$0x1] =	stream.indirect.gather [hbm4b:s4+s14], $0x80, s18, s14, $0xb8;
	[tilespmem:$0x1D000] =	vst v63  }
0x1d: {  	_ =	swait.ge [sflag:s16], $0x4000  }
0x1e: {  	[sflag:s16] =	ssyncset.done $0x0  }
0x1f: {  	s31 =	simm.s32 $0x2800;
	[sflag:s16] =	ssyncadd.s32 $0xFFFFC000  }
0x20: {  	[spmem:s2] =	stream.indirect.scatter.add.f32 [tilespmem:s15], [sflag:$0x2], $0x80, s31, s14, $0xb8;
	[tilespmem:$0x1D000] =	vst v63  }
0x21: {  	_ =	swait.ge [sflag:s10], $0x4000  }
0x22: {  	s19 =	simm.s32 $0x400;
	s18 =	simm.s32 $0x200;
	[sflag:s10] =	ssyncset.done $0x0  }
.LBB2_2:
0x23: {  	s20 =	sshra.s32 s18, $0x2  }
0x24: {  	[sflag:s10] =	ssyncadd.s32 $0xFFFFC000;
	s18 =	smov.u32 s19;
	s21 =	sadd.s32 $0x200, s19  }
0x25: {  	[tilespmem:s15], [sflag:$0x1] =	stream.indirect.gather [hbm4b:s4+s14], $0x80, s20, s14, $0xb8;
	[tilespmem:$0x1D000] =	vst v63  }
0x26: {  	p0 =	sne.s32 s19, $0x9E00;
	_ =	swait.ge [sflag:s16], $0x4000  }
.Ltmp0:
0x27: {  	[sflag:s16] =	ssyncset.done $0x0;
	(pc) =	sbr.rel @p0 .LBB2_2-.Ltmp0, $4  }
0x28: {  	s19 =	sadd.s32 $0x2800, s20;
	[sflag:s16] =	ssyncadd.s32 $0xFFFFC000  }
0x29: {  	[spmem:s2] =	stream.indirect.scatter.add.f32 [tilespmem:s15], [sflag:$0x2], $0x80, s19, s14, $0xb8;
	[tilespmem:$0x1D000] =	vst v63  }
0x2a: {  	_ =	swait.ge [sflag:s10], $0x4000  }
0x2b: {  	s19 =	smov.u32 s21;
	[sflag:s10] =	ssyncset.done $0x0  }
0x2c: {  	s18 =	sshra.s32 s18, $0x2;
	[sflag:s10] =	ssyncadd.s32 $0xFFFFC000  }
0x2d: {  	[tilespmem:s15], [sflag:$0x1] =	stream.indirect.gather [hbm4b:s4+s14], $0x80, s18, s14, $0xb8;
	[tilespmem:$0x1D000] =	vst v63  }
0x2e: {  	_ =	swait.ge [sflag:s16], $0x4000  }
0x2f: {  	[sflag:s16] =	ssyncset.done $0x0  }
0x30: {  	s18 =	sadd.s32 $0x2800, s18;
	[sflag:s16] =	ssyncadd.s32 $0xFFFFC000  }
0x31: {  	[spmem:s2] =	stream.indirect.scatter.add.f32 [tilespmem:s15], [sflag:$0x2], $0x80, s18, s14, $0xb8;
	[tilespmem:$0x1D000] =	vst v63  }
0x32: {  	_ =	swait.ge [sflag:s10], $0x4000  }
0x33: {  	s17 =	sadd.s32 $0x1, s17;
	[sflag:s10] =	ssyncset.done $0x0  }
0x34: {  	p0 =	sne.s32 s17, s9;
	[sflag:s10] =	ssyncadd.s32 $0xFFFFC000  }
.Ltmp1:
0x35: {  	[bflag:$0x0] =	sbarrier.arrive $0xFFFF;
	(pc) =	sbr.rel @p0 .LBB2_1-.Ltmp1, $4  }
0x36: {  	[hbm:s8], [sflag:s12] =	dma.local [spmem:s13], $0x2800  }
0x37: {  	_ =	swait.ge [sflag:s10], $0x2800  }
0x38: {  	[sflag:s10] =	ssyncset.done $0x0  }
0x39: {  	[sflag:s10] =	ssyncadd.s32 $0xFFFFD800  }
0x3a: {  	_ =	sfence.sel $0x180000  }
0x3b: {  	[bflag:$0x0] =	sbarrier.arrive $0xFFFF  }
0x3c: {  	p0 =	sne.s32 s0, $0x0;
	_ =	strace $0x90000053  }
0x3d: {  	s0 =	sadd.s32 @!p0 $0x100000, s1;
	[bflag:$0x2] =	sbarrier.arrive $0xFFFF  }
0x3e: {  	[sflag:s0] =	ssyncadd.tile.s32 @!p0 $0x1;
	_ =	shalt  }
.Lfunc_end2:
_tile_overlayer_lowered:
.L_overlay_start_2:
0x3f: {  	(tag) =	ssettag $0x2  }
0x40: {  	s0 =	rddreg [dreg:$0x0];
	s2 =	stileid.u32  }
0x41: {  	s1 =	rddreg [dreg:$0x1];
	p0 =	sne.s32 s2, $0x0  }
0x42: {  	s3 =	rddreg [dreg:$0x2];
	[bflag:$0x3] =	sbarrier.arrive $0xFFFF;
	s2 =	simm.s32 @!p0 $0x1C02  }
0x43: {  	[timem:s3], [sflag:s2] =	dma.local @!p0 [hbm:s0], s1  }
0x44: {  	s0 =	simm.s32 @!p0 $0x2  }
0x45: {  	_ =	swait.ge @!p0 [sflag:s0], s1  }
0x46: {  	s1 =	ssub.s32 @!p0 $0x0, s1;
	[sflag:s0] =	ssyncset.done @!p0 $0x0  }
0x47: {  	[sflag:s0] =	ssyncadd.s32 @!p0 s1  }
0x48: {  	[bflag:$0x3] =	sbarrier.arrive $0xFFFF  }
0x49: {  	_ =	shalt  }

</sc_bundles>
